<compile_context>
chip_gen: v7x
topology: tpu7x:2x2x1
jax: 0.10.2.dev20260603
libtpu: 0.0.44.dev20260713+nightly
codegen_flags: <defaults>
</compile_context>

<pallas_src>
import functools

import jax
import jax.numpy as jnp
from jax import lax
from jax.experimental import pallas as pl
from jax.experimental.pallas import tpu as pltpu
from jax.experimental.pallas import tpu_sc as plsc

K_NEIGHBORS = 32
Q = 1024
D_DIM = 64
N_PAD = 100352
BR = 2048
NBLK = N_PAD // BR
NGROUP = N_PAD // 128
GPB = BR // 128
PAD_VAL = 1e30

NTILES = 32
QPT = Q // NTILES
NCHUNK_M = NGROUP // 16
NCHUNK_G = (32 * 128) // 16


def _dist_tile_kernel(q_ref, rsq_ref, r_ref, out_ref, m_ref):
    q = q_ref[...]
    r = r_ref[...]
    qsq = jnp.sum(q * q, axis=1, keepdims=True)
    dot = lax.dot_general(q, r, (((1,), (1,)), ((), ())),
                          preferred_element_type=jnp.float32)
    d = qsq + rsq_ref[...] - 2.0 * dot
    d3 = d.reshape(Q, GPB, 128)
    out_ref[...] = d3
    m_ref[...] = jnp.min(d3, axis=-1)[None]


def _merge16(A, Ai, B, Bi, v, vi):
    C, Ci = plsc.sort_key_val(v, vi)
    rC = lax.rev(C, (0,))
    rCi = lax.rev(Ci, (0,))
    sel = B <= rC
    L1 = jnp.minimum(B, rC)
    L1i = jnp.where(sel, Bi, rCi)
    L1, L1i = plsc.sort_key_val(L1, L1i)
    rL = lax.rev(L1, (0,))
    rLi = lax.rev(L1i, (0,))
    sel2 = A <= rL
    lo = jnp.minimum(A, rL)
    loi = jnp.where(sel2, Ai, rLi)
    hi = jnp.maximum(A, rL)
    hii = jnp.where(sel2, rLi, Ai)
    A2, A2i = plsc.sort_key_val(lo, loi)
    B2, B2i = plsc.sort_key_val(hi, hii)
    return A2, A2i, B2, B2i, jnp.max(B2)


def _sc_select(m_hbm, dflat_hbm, outv_hbm, outi_hbm,
               mrows, gat, idxv, gbase, buf, bufi, outv, outi, sem):
    wid = lax.axis_index("s") * 2 + lax.axis_index("c")
    qbase = wid * QPT
    pltpu.sync_copy(m_hbm.at[pl.ds(qbase, QPT)], mrows)
    iota = lax.iota(jnp.int32, 16)
    big = jnp.full((16,), PAD_VAL, jnp.float32)
    zero = jnp.zeros((16,), jnp.int32)

    def append(car, v, vi):
        A, Ai, B, Bi, bmax, cnt = car
        mask = v <= lax.broadcast(bmax, (16,))

        def do(car):
            A, Ai, B, Bi, bmax, cnt = car
            plsc.store_compressed(buf.at[pl.ds(cnt, 16)], v, mask=mask)
            plsc.store_compressed(bufi.at[pl.ds(cnt, 16)], vi, mask=mask)
            cnt2 = cnt + jnp.sum(mask.astype(jnp.int32))

            def do_merge(c):
                A, Ai, B, Bi, _, cnt2 = c
                w = buf[pl.ds(0, 16)]
                wi = bufi[pl.ds(0, 16)]
                A2, A2i, B2, B2i, bm = _merge16(A, Ai, B, Bi, w, wi)
                t = buf[pl.ds(16, 16)]
                ti = bufi[pl.ds(16, 16)]
                buf[pl.ds(0, 16)] = t
                bufi[pl.ds(0, 16)] = ti
                return (A2, A2i, B2, B2i, bm, cnt2 - 16)

            carn = (A, Ai, B, Bi, bmax, cnt2)
            return lax.cond(cnt2 >= 16, do_merge, lambda c: c, carn)

        return lax.cond(jnp.any(mask), do, lambda c: c, car)

    def drain(car):
        A, Ai, B, Bi, bmax, cnt = car

        def do(car):
            A, Ai, B, Bi, bmax, cnt = car
            w = jnp.where(iota < lax.broadcast(cnt, (16,)),
                          buf[pl.ds(0, 16)], big)
            wi = bufi[pl.ds(0, 16)]
            A2, A2i, B2, B2i, bm = _merge16(A, Ai, B, Bi, w, wi)
            return (A2, A2i, B2, B2i, bm, 0)

        return lax.cond(cnt > 0, do, lambda c: c, car)

    def per_query(qi, _):
        def stepB(bi, car):
            vs = [mrows[qi, pl.ds((bi * 4 + t) * 16, 16)] for t in range(4)]
            m4 = jnp.min(jnp.minimum(jnp.minimum(vs[0], vs[1]),
                                     jnp.minimum(vs[2], vs[3])))

            def do(car):
                for t in range(4):
                    car = append(car, vs[t], (bi * 4 + t) * 16 + iota)
                return car

            return lax.cond(m4 <= car[4], do, lambda c: c, car)

        carB = (big, zero, big, zero, jnp.float32(PAD_VAL), jnp.int32(0))
        carB = lax.fori_loop(0, 12, stepB, carB)
        carB = append(carB, mrows[qi, pl.ds(48 * 16, 16)], 48 * 16 + iota)
        A, Ai, B, Bi, bmaxB, _ = drain(carB)

        row0 = (qbase + qi) * NGROUP
        idxv[pl.ds(0, 16)] = row0 + Ai
        idxv[pl.ds(16, 16)] = row0 + Bi
        gbase[pl.ds(0, 16)] = Ai * 128
        gbase[pl.ds(16, 16)] = Bi * 128
        pltpu.async_copy(dflat_hbm.at[idxv], gat, sem).wait()

        def stepD(bi, car):
            s = bi // 2
            o0 = (bi % 2) * 64
            vs = [gat[s, pl.ds(o0 + t * 16, 16)] for t in range(4)]
            m4 = jnp.min(jnp.minimum(jnp.minimum(vs[0], vs[1]),
                                     jnp.minimum(vs[2], vs[3])))

            def do(car):
                base = plsc.load_gather(gbase, [jnp.full((16,), s, jnp.int32)])
                for t in range(4):
                    car = append(car, vs[t], base + o0 + t * 16 + iota)
                return car

            return lax.cond(m4 <= car[4], do, lambda c: c, car)

        carD = (big, zero, big, zero, bmaxB, jnp.int32(0))
        carD = lax.fori_loop(0, NCHUNK_G // 4, stepD, carD)
        A, Ai, B, Bi, _, _ = drain(carD)

        outv[qi, pl.ds(0, 16)] = A
        outv[qi, pl.ds(16, 16)] = B
        outi[qi, pl.ds(0, 16)] = Ai
        outi[qi, pl.ds(16, 16)] = Bi
        return 0

    lax.fori_loop(0, QPT, per_query, 0)
    pltpu.sync_copy(outv, outv_hbm.at[pl.ds(qbase, QPT)])
    pltpu.sync_copy(outi, outi_hbm.at[pl.ds(qbase, QPT)])


def kernel(queries, refs):
    n = refs.shape[0]
    refs_p = jnp.pad(refs, ((0, N_PAD - n), (0, 0)))
    rsq = jnp.sum(refs_p * refs_p, axis=1)
    rsq = jnp.where(jnp.arange(N_PAD) < n, rsq, jnp.float32(PAD_VAL))[None, :]

    sq_dist, m3 = pl.pallas_call(
        _dist_tile_kernel,
        grid=(NBLK,),
        in_specs=[
            pl.BlockSpec((Q, D_DIM), lambda i: (0, 0)),
            pl.BlockSpec((1, BR), lambda i: (0, i)),
            pl.BlockSpec((BR, D_DIM), lambda i: (i, 0)),
        ],
        out_specs=[
            pl.BlockSpec((Q, GPB, 128), lambda i: (0, i, 0)),
            pl.BlockSpec((1, Q, GPB), lambda i: (i, 0, 0)),
        ],
        out_shape=[
            jax.ShapeDtypeStruct((Q, NGROUP, 128), jnp.float32),
            jax.ShapeDtypeStruct((NBLK, Q, GPB), jnp.float32),
        ],
    )(queries, rsq, refs_p)

    m2 = m3.transpose(1, 0, 2).reshape(Q, NGROUP)
    dflat = sq_dist.reshape(Q * NGROUP, 128)

    mesh = plsc.VectorSubcoreMesh(core_axis_name="c", subcore_axis_name="s")
    sc = pl.kernel(
        _sc_select,
        mesh=mesh,
        compiler_params=pltpu.CompilerParams(needs_layout_passes=False),
        out_type=[
            jax.ShapeDtypeStruct((Q, K_NEIGHBORS), jnp.float32),
            jax.ShapeDtypeStruct((Q, K_NEIGHBORS), jnp.int32),
        ],
        scratch_types=[
            pltpu.VMEM((QPT, NGROUP), jnp.float32),
            pltpu.VMEM((32, 128), jnp.float32),
            pltpu.VMEM((32,), jnp.int32),
            pltpu.VMEM((32,), jnp.int32),
            pltpu.VMEM((32,), jnp.float32),
            pltpu.VMEM((32,), jnp.int32),
            pltpu.VMEM((QPT, K_NEIGHBORS), jnp.float32),
            pltpu.VMEM((QPT, K_NEIGHBORS), jnp.int32),
            pltpu.SemaphoreType.DMA,
        ],
    )
    sqd, idx = sc(m2, dflat)
    return jnp.sqrt(jnp.maximum(sqd, 0.0)), idx

# --- scband reference (transcript-rebuilt; emitter-appended) ---
"""Pipeline reference for scband-knn-9242769621831 (READ-ONLY COPY).

The authoritative reference and input builder live on the scoring server;
editing this copy changes nothing except your own understanding.
"""

import jax, jax.numpy as jnp
import numpy as np

K_NEIGHBORS = 32

def setup_inputs(seed: int = 0) -> dict:
    key = jax.random.key(seed)
    k1, k2 = jax.random.split(key)
    queries = jax.random.normal(k1, (1024, 64), dtype=jnp.float32)
    refs = jax.random.normal(k2, (100000, 64), dtype=jnp.float32)
    return {"queries": queries, "refs": refs}

def reference(queries, refs):
    # Faithful translation of the CUDA KNN kernel pipeline:
    # 1) compute_distances: pairwise SSD (sum of squared differences)
    #    between every ref point and every query point.
    # 2) modified_insertion_sort: select the k smallest distances per query
    #    along with their ref indices (ascending order).
    # 3) compute_sqrt: take sqrt of the k selected squared distances.
    k = K_NEIGHBORS
    q_sq = jnp.sum(queries * queries, axis=1, keepdims=True)      # [Q, 1]
    r_sq = jnp.sum(refs * refs, axis=1)                            # [K]
    # SSD(q, r) = |q|^2 + |r|^2 - 2 q.r
    sq_dist = q_sq + r_sq[None, :] - 2.0 * (queries @ refs.T)      # [Q, K]
    # k smallest squared distances -> top_k of negated distances
    neg_top, knn_index = jax.lax.top_k(-sq_dist, k)                # [Q, k]
    knn_sq_dist = jnp.maximum(-neg_top, 0.0)
    knn_dist = jnp.sqrt(knn_sq_dist)                               # [Q, k]
    return knn_dist, knn_index

if __name__ == "__main__":
    import jax
    _d = setup_inputs()
    print(jax.jit(kernel)(*tuple(_d.values())))

</pallas_src>

<mosaic_0001>
#map = affine_map<(d0, d1) -> (0, 0)>
module attributes {stable_mosaic.version = 14 : i64} {
  func.func @_sc_select(%arg0: i32, %arg1: i32, %arg2: memref<1024x784xf32, #tpu.memory_space<hbm>>, %arg3: memref<802816x128xf32, #tpu.memory_space<hbm>>, %arg4: memref<1024x32xf32, #tpu.memory_space<hbm>>, %arg5: memref<1024x32xi32, #tpu.memory_space<hbm>>, %arg6: memref<32x784xf32, #tpu.memory_space<vmem>>, %arg7: memref<32x128xf32, #tpu.memory_space<vmem>>, %arg8: memref<32xi32, #tpu.memory_space<vmem>>, %arg9: memref<32xi32, #tpu.memory_space<vmem>>, %arg10: memref<32xf32, #tpu.memory_space<vmem>>, %arg11: memref<32xi32, #tpu.memory_space<vmem>>, %arg12: memref<32x32xf32, #tpu.memory_space<vmem>>, %arg13: memref<32x32xi32, #tpu.memory_space<vmem>>, %arg14: memref<!tpu.dma_semaphore, #tpu.memory_space<semaphore_mem>>) attributes {dimension_semantics = [#tpu.dimension_semantics<core_parallel>, #tpu.dimension_semantics<subcore_parallel>], iteration_bounds = array<i64: 2, 16>, scalar_prefetch = 0 : i64, scratch_operands = 9 : i64, tpu.core_type = #tpu.core_type<sc_vector_subcore>, window_params = [{transform_indices = #map}, {transform_indices = #map}, {transform_indices = #map}, {transform_indices = #map}]} {
    %mul3A = arith.constant 2 : i32
    %mul3A_0 = arith.muli %arg1, %mul3A : i32
    %add3A = arith.addi %mul3A_0, %arg0 : i32
    %mul3A_1 = arith.constant 32 : i32
    %mul3A_2 = arith.muli %add3A, %mul3A_1 : i32
    "tpu.region"() ({
      %run_scoped3A = tpu.sem_alloc : memref<!tpu.dma_semaphore, #tpu.memory_space<semaphore_mem>>
      %dma_start3A = arith.constant 0 : i32
      %dma_start3A_12 = tpu.memref_slice %arg2[%mul3A_2, %dma_start3A] : memref<1024x784xf32, #tpu.memory_space<hbm>> -> memref<32x784xf32, #tpu.memory_space<hbm>>
      %dma_start3A_13 = arith.constant 0 : i32
      %dma_start3A_14 = tpu.memref_slice %arg2[%mul3A_2, %dma_start3A_13] : memref<1024x784xf32, #tpu.memory_space<hbm>> -> memref<32x784xf32, #tpu.memory_space<hbm>>
      tpu.enqueue_dma source(%dma_start3A_14 : memref<32x784xf32, #tpu.memory_space<hbm>>) target(%arg6 : memref<32x784xf32, #tpu.memory_space<vmem>>) target_semaphore(%run_scoped3A : memref<!tpu.dma_semaphore, #tpu.memory_space<semaphore_mem>>)
      %dma_wait3A = arith.constant 0 : i32
      %dma_wait3A_15 = tpu.memref_slice %arg2[%mul3A_2, %dma_wait3A] : memref<1024x784xf32, #tpu.memory_space<hbm>> -> memref<32x784xf32, #tpu.memory_space<hbm>>
      %dma_wait3A_16 = arith.constant 0 : i32
      %dma_wait3A_17 = tpu.memref_slice %arg2[%mul3A_2, %dma_wait3A_16] : memref<1024x784xf32, #tpu.memory_space<hbm>> -> memref<32x784xf32, #tpu.memory_space<hbm>>
      tpu.wait_dma2 semaphore(%run_scoped3A : memref<!tpu.dma_semaphore, #tpu.memory_space<semaphore_mem>>) src(%dma_wait3A_17 : memref<32x784xf32, #tpu.memory_space<hbm>>) dst(%arg6 : memref<32x784xf32, #tpu.memory_space<vmem>>)
      tpu.yield
    }) : () -> ()
    %iota3A = tpu.iota {dimensions = array<i32: 0>} : vector<16xi32>
    %broadcast_in_dim3A = arith.constant 1.000000e+30 : f32
    %broadcast_in_dim3A_3 = vector.broadcast %broadcast_in_dim3A : f32 to vector<16xf32>
    %broadcast_in_dim3A_4 = arith.constant 0 : i32
    %broadcast_in_dim3A_5 = vector.broadcast %broadcast_in_dim3A_4 : i32 to vector<16xi32>
    %scan3A = arith.constant 0 : i32
    %scan3A_6 = arith.constant 0 : i32
    %scan3A_7 = arith.constant 32 : i32
    %scan3A_8 = arith.addi %scan3A_6, %scan3A_7 : i32
    %scan3A_9 = arith.constant 1 : i32
    %scan3A_10 = scf.for %scan3A_12 = %scan3A_6 to %scan3A_8 step %scan3A_9 iter_args(%scan3A_13 = %scan3A) -> (i32)  : i32 {
      %scan3A_14 = arith.constant 1.000000e+30 : f32
      %scan3A_15 = arith.constant 0 : i32
      %scan3A_16 = arith.constant 0 : i32
      %scan3A_17 = arith.constant 12 : i32
      %scan3A_18 = arith.addi %scan3A_16, %scan3A_17 : i32
      %scan3A_19 = arith.constant 1 : i32
      %scan3A_20:6 = scf.for %scan3A_95 = %scan3A_16 to %scan3A_18 step %scan3A_19 iter_args(%scan3A_96 = %broadcast_in_dim3A_3, %scan3A_97 = %broadcast_in_dim3A_5, %scan3A_98 = %broadcast_in_dim3A_3, %scan3A_99 = %broadcast_in_dim3A_5, %scan3A_100 = %scan3A_14, %scan3A_101 = %scan3A_15) -> (vector<16xf32>, vector<16xi32>, vector<16xf32>, vector<16xi32>, f32, i32)  : i32 {
        %mul3A_102 = arith.constant 4 : i32
        %mul3A_103 = arith.muli %scan3A_95, %mul3A_102 : i32
        %add3A_104 = arith.constant 0 : i32
        %add3A_105 = arith.addi %mul3A_103, %add3A_104 : i32
        %mul3A_106 = arith.constant 16 : i32
        %mul3A_107 = arith.muli %add3A_105, %mul3A_106 : i32
        %get3A_108 = arith.index_cast %scan3A_12 : i32 to index
        %get3A_109 = arith.index_cast %mul3A_107 : i32 to index
        %get3A_110 = tpu.vector_load %arg6[%get3A_108, %get3A_109] {strides = array<i32>} : memref<32x784xf32, #tpu.memory_space<vmem>>, vector<16xf32>,
        %mul3A_111 = arith.constant 4 : i32
        %mul3A_112 = arith.muli %scan3A_95, %mul3A_111 : i32
        %add3A_113 = arith.constant 1 : i32
        %add3A_114 = arith.addi %mul3A_112, %add3A_113 : i32
        %mul3A_115 = arith.constant 16 : i32
        %mul3A_116 = arith.muli %add3A_114, %mul3A_115 : i32
        %get3A_117 = arith.index_cast %scan3A_12 : i32 to index
        %get3A_118 = arith.index_cast %mul3A_116 : i32 to index
        %get3A_119 = tpu.vector_load %arg6[%get3A_117, %get3A_118] {strides = array<i32>} : memref<32x784xf32, #tpu.memory_space<vmem>>, vector<16xf32>,
        %mul3A_120 = arith.constant 4 : i32
        %mul3A_121 = arith.muli %scan3A_95, %mul3A_120 : i32
        %add3A_122 = arith.constant 2 : i32
        %add3A_123 = arith.addi %mul3A_121, %add3A_122 : i32
        %mul3A_124 = arith.constant 16 : i32
        %mul3A_125 = arith.muli %add3A_123, %mul3A_124 : i32
        %get3A_126 = arith.index_cast %scan3A_12 : i32 to index
        %get3A_127 = arith.index_cast %mul3A_125 : i32 to index
        %get3A_128 = tpu.vector_load %arg6[%get3A_126, %get3A_127] {strides = array<i32>} : memref<32x784xf32, #tpu.memory_space<vmem>>, vector<16xf32>,
        %mul3A_129 = arith.constant 4 : i32
        %mul3A_130 = arith.muli %scan3A_95, %mul3A_129 : i32
        %add3A_131 = arith.constant 3 : i32
        %add3A_132 = arith.addi %mul3A_130, %add3A_131 : i32
        %mul3A_133 = arith.constant 16 : i32
        %mul3A_134 = arith.muli %add3A_132, %mul3A_133 : i32
        %get3A_135 = arith.index_cast %scan3A_12 : i32 to index
        %get3A_136 = arith.index_cast %mul3A_134 : i32 to index
        %get3A_137 = tpu.vector_load %arg6[%get3A_135, %get3A_136] {strides = array<i32>} : memref<32x784xf32, #tpu.memory_space<vmem>>, vector<16xf32>,
        %min3A = arith.minimumf %get3A_110, %get3A_119 : vector<16xf32>
        %min3A_138 = arith.minimumf %get3A_128, %get3A_137 : vector<16xf32>
        %min3A_139 = arith.minimumf %min3A, %min3A_138 : vector<16xf32>
        %reduce_min3A = arith.constant true
        %reduce_min3A_140 = vector.broadcast %reduce_min3A : i1 to vector<16xi1>
        %reduce_min3A_141 = tpu.scan <min>, %min3A_139 masked %reduce_min3A_140 : vector<16xf32>, vector<16xi1> -> vector<16xf32>
        %reduce_min3A_142 = vector.extract %reduce_min3A_141[15] : f32 from vector<16xf32>
        %le3A_143 = arith.cmpf ole, %reduce_min3A_142, %scan3A_100 : f32
        %convert_element_type3A_144 = arith.extui %le3A_143 : i1 to i32
        %cond3A_145 = arith.constant 0 : i32
        %cond3A_146 = arith.cmpi ne, %convert_element_type3A_144, %cond3A_145 : i32
        %cond3A_147:6 = scf.if %cond3A_146 -> (vector<16xf32>, vector<16xi32>, vector<16xf32>, vector<16xi32>, f32, i32) {
          %mul3A_148 = arith.constant 4 : i32
          %mul3A_149 = arith.muli %scan3A_95, %mul3A_148 : i32
          %add3A_150 = arith.constant 0 : i32
          %add3A_151 = arith.addi %mul3A_149, %add3A_150 : i32
          %mul3A_152 = arith.constant 16 : i32
          %mul3A_153 = arith.muli %add3A_151, %mul3A_152 : i32
          %add3A_154 = vector.broadcast %mul3A_153 : i32 to vector<16xi32>
          %add3A_155 = arith.addi %add3A_154, %iota3A : vector<16xi32>
          %broadcast_in_dim3A_156 = vector.broadcast %scan3A_100 : f32 to vector<16xf32>
          %le3A_157 = arith.cmpf ole, %get3A_110, %broadcast_in_dim3A_156 : vector<16xf32>
          %reduce_or3A_158 = arith.constant 1.000000e+00 : f32
          %reduce_or3A_159 = arith.constant 0.000000e+00 : f32
          %reduce_or3A_160 = vector.broadcast %reduce_or3A_158 : f32 to vector<16xf32>
          %reduce_or3A_161 = vector.broadcast %reduce_or3A_159 : f32 to vector<16xf32>
          %reduce_or3A_162 = arith.select %le3A_157, %reduce_or3A_160, %reduce_or3A_161 : vector<16xi1>, vector<16xf32>
          %reduce_or3A_163 = arith.constant true
          %reduce_or3A_164 = vector.broadcast %reduce_or3A_163 : i1 to vector<16xi1>
          %reduce_or3A_165 = tpu.scan <max>, %reduce_or3A_162 masked %reduce_or3A_164 : vector<16xf32>, vector<16xi1> -> vector<16xf32>
          %reduce_or3A_166 = vector.extract %reduce_or3A_165[15] : f32 from vector<16xf32>
          %reduce_or3A_167 = arith.constant 0.000000e+00 : f32
          %reduce_or3A_168 = arith.cmpf ogt, %reduce_or3A_166, %reduce_or3A_167 : f32
          %convert_element_type3A_169 = arith.extui %reduce_or3A_168 : i1 to i32
          %cond3A_170 = arith.constant 0 : i32
          %cond3A_171 = arith.cmpi ne, %convert_element_type3A_169, %cond3A_170 : i32
          %cond3A_172:6 = scf.if %cond3A_171 -> (vector<16xf32>, vector<16xi32>, vector<16xf32>, vector<16xi32>, f32, i32) {
            %swap3A_248 = arith.index_cast %scan3A_101 : i32 to index
            %swap3A_249 = tpu.vector_load %arg10[%swap3A_248] masked %le3A_157 {strides = array<i32>} : memref<32xf32, #tpu.memory_space<vmem>>, vector<16xf32>, vector<16xi1>
            tpu.vector_store %arg10[%swap3A_248], %get3A_110 masked %le3A_157 {strides = array<i32>} : memref<32xf32, #tpu.memory_space<vmem>>, vector<16xf32>, vector<16xi1>
            %swap3A_250 = arith.index_cast %scan3A_101 : i32 to index
            %swap3A_251 = tpu.vector_load %arg11[%swap3A_250] masked %le3A_157 {strides = array<i32>} : memref<32xi32, #tpu.memory_space<vmem>>, vector<16xi32>, vector<16xi1>
            tpu.vector_store %arg11[%swap3A_250], %add3A_155 masked %le3A_157 {strides = array<i32>} : memref<32xi32, #tpu.memory_space<vmem>>, vector<16xi32>, vector<16xi1>
            %convert_element_type3A_252 = arith.extui %le3A_157 : vector<16xi1> to vector<16xi32>
            %reduce_sum3A = arith.constant true
            %reduce_sum3A_253 = vector.broadcast %reduce_sum3A : i1 to vector<16xi1>
            %reduce_sum3A_254 = tpu.scan <sum>, %convert_element_type3A_252 masked %reduce_sum3A_253 : vector<16xi32>, vector<16xi1> -> vector<16xi32>
            %reduce_sum3A_255 = vector.extract %reduce_sum3A_254[15] : i32 from vector<16xi32>
            %add3A_256 = arith.addi %scan3A_101, %reduce_sum3A_255 : i32
            %ge3A = arith.constant 16 : i32
            %ge3A_257 = arith.cmpi sge, %add3A_256, %ge3A : i32
            %convert_element_type3A_258 = arith.extui %ge3A_257 : i1 to i32
            %cond3A_259 = arith.constant 0 : i32
            %cond3A_260 = arith.cmpi ne, %convert_element_type3A_258, %cond3A_259 : i32
            %cond3A_261:6 = scf.if %cond3A_260 -> (vector<16xf32>, vector<16xi32>, vector<16xf32>, vector<16xi32>, f32, i32) {
              %get3A_262 = arith.constant 0 : index
              %get3A_263 = tpu.vector_load %arg10[%get3A_262] {strides = array<i32>} : memref<32xf32, #tpu.memory_space<vmem>>, vector<16xf32>,
              %get3A_264 = arith.constant 0 : index
              %get3A_265 = tpu.vector_load %arg11[%get3A_264] {strides = array<i32>} : memref<32xi32, #tpu.memory_space<vmem>>, vector<16xi32>,
              %masked_sort3A = arith.constant dense<true> : vector<16xi1>
              %masked_sort3A_266, %masked_sort3A_267, %masked_sort3A_268 = tpu.sort %get3A_263, %get3A_265 masked %masked_sort3A : (vector<16xf32>, vector<16xi32>, vector<16xi1>) -> (vector<16xi1>, vector<16xf32>, vector<16xi32>)
              %rev3A = arith.constant 15 : i32
              %rev3A_269 = vector.broadcast %rev3A : i32 to vector<16xi32>
              %rev3A_270 = tpu.iota {dimensions = array<i32: 0>} : vector<16xi32>
              %rev3A_271 = arith.subi %rev3A_269, %rev3A_270 : vector<16xi32>
              %rev3A_272 = tpu.dynamic_gather %masked_sort3A_267[%rev3A_271] in [0] : vector<16xf32>, vector<16xi32> -> vector<16xf32>
              %rev3A_273 = arith.constant 15 : i32
              %rev3A_274 = vector.broadcast %rev3A_273 : i32 to vector<16xi32>
              %rev3A_275 = tpu.iota {dimensions = array<i32: 0>} : vector<16xi32>
              %rev3A_276 = arith.subi %rev3A_274, %rev3A_275 : vector<16xi32>
              %rev3A_277 = tpu.dynamic_gather %masked_sort3A_268[%rev3A_276] in [0] : vector<16xi32>, vector<16xi32> -> vector<16xi32>
              %le3A_278 = arith.cmpf ole, %scan3A_98, %rev3A_272 : vector<16xf32>
              %min3A_279 = arith.minimumf %scan3A_98, %rev3A_272 : vector<16xf32>
              %select_n3A = arith.select %le3A_278, %scan3A_99, %rev3A_277 : vector<16xi1>, vector<16xi32>
              %masked_sort3A_280 = arith.constant dense<true> : vector<16xi1>
              %masked_sort3A_281, %masked_sort3A_282, %masked_sort3A_283 = tpu.sort %min3A_279, %select_n3A masked %masked_sort3A_280 : (vector<16xf32>, vector<16xi32>, vector<16xi1>) -> (vector<16xi1>, vector<16xf32>, vector<16xi32>)
              %rev3A_284 = arith.constant 15 : i32
              %rev3A_285 = vector.broadcast %rev3A_284 : i32 to vector<16xi32>
              %rev3A_286 = tpu.iota {dimensions = array<i32: 0>} : vector<16xi32>
              %rev3A_287 = arith.subi %rev3A_285, %rev3A_286 : vector<16xi32>
              %rev3A_288 = tpu.dynamic_gather %masked_sort3A_282[%rev3A_287] in [0] : vector<16xf32>, vector<16xi32> -> vector<16xf32>
              %rev3A_289 = arith.constant 15 : i32
              %rev3A_290 = vector.broadcast %rev3A_289 : i32 to vector<16xi32>
              %rev3A_291 = tpu.iota {dimensions = array<i32: 0>} : vector<16xi32>
              %rev3A_292 = arith.subi %rev3A_290, %rev3A_291 : vector<16xi32>
              %rev3A_293 = tpu.dynamic_gather %masked_sort3A_283[%rev3A_292] in [0] : vector<16xi32>, vector<16xi32> -> vector<16xi32>
              %le3A_294 = arith.cmpf ole, %scan3A_96, %rev3A_288 : vector<16xf32>
              %min3A_295 = arith.minimumf %scan3A_96, %rev3A_288 : vector<16xf32>
              %select_n3A_296 = arith.select %le3A_294, %scan3A_97, %rev3A_293 : vector<16xi1>, vector<16xi32>
              %max3A = arith.maximumf %scan3A_96, %rev3A_288 : vector<16xf32>
              %select_n3A_297 = arith.select %le3A_294, %rev3A_293, %scan3A_97 : vector<16xi1>, vector<16xi32>
              %masked_sort3A_298 = arith.constant dense<true> : vector<16xi1>
              %masked_sort3A_299, %masked_sort3A_300, %masked_sort3A_301 = tpu.sort %min3A_295, %select_n3A_296 masked %masked_sort3A_298 : (vector<16xf32>, vector<16xi32>, vector<16xi1>) -> (vector<16xi1>, vector<16xf32>, vector<16xi32>)
              %masked_sort3A_302 = arith.constant dense<true> : vector<16xi1>
              %masked_sort3A_303, %masked_sort3A_304, %masked_sort3A_305 = tpu.sort %max3A, %select_n3A_297 masked %masked_sort3A_302 : (vector<16xf32>, vector<16xi32>, vector<16xi1>) -> (vector<16xi1>, vector<16xf32>, vector<16xi32>)
              %reduce_max3A = arith.constant true
              %reduce_max3A_306 = vector.broadcast %reduce_max3A : i1 to vector<16xi1>
              %reduce_max3A_307 = tpu.scan <max>, %masked_sort3A_304 masked %reduce_max3A_306 : vector<16xf32>, vector<16xi1> -> vector<16xf32>
              %reduce_max3A_308 = vector.extract %reduce_max3A_307[15] : f32 from vector<16xf32>
              %get3A_309 = arith.constant 16 : index
              %get3A_310 = tpu.vector_load %arg10[%get3A_309] {strides = array<i32>} : memref<32xf32, #tpu.memory_space<vmem>>, vector<16xf32>,
              %get3A_311 = arith.constant 16 : index
              %get3A_312 = tpu.vector_load %arg11[%get3A_311] {strides = array<i32>} : memref<32xi32, #tpu.memory_space<vmem>>, vector<16xi32>,
              %swap3A_313 = arith.constant 0 : index
              %swap3A_314 = tpu.vector_load %arg10[%swap3A_313] {strides = array<i32>} : memref<32xf32, #tpu.memory_space<vmem>>, vector<16xf32>,
              tpu.vector_store %arg10[%swap3A_313], %get3A_310 {strides = array<i32>} : memref<32xf32, #tpu.memory_space<vmem>>, vector<16xf32>,
              %swap3A_315 = arith.constant 0 : index
              %swap3A_316 = tpu.vector_load %arg11[%swap3A_315] {strides = array<i32>} : memref<32xi32, #tpu.memory_space<vmem>>, vector<16xi32>,
              tpu.vector_store %arg11[%swap3A_315], %get3A_312 {strides = array<i32>} : memref<32xi32, #tpu.memory_space<vmem>>, vector<16xi32>,
              %sub3A = arith.constant 16 : i32
              %sub3A_317 = arith.subi %add3A_256, %sub3A : i32
              scf.yield %masked_sort3A_300, %masked_sort3A_301, %masked_sort3A_304, %masked_sort3A_305, %reduce_max3A_308, %sub3A_317 : vector<16xf32>, vector<16xi32>, vector<16xf32>, vector<16xi32>, f32, i32
            } else {
              scf.yield %scan3A_96, %scan3A_97, %scan3A_98, %scan3A_99, %scan3A_100, %add3A_256 : vector<16xf32>, vector<16xi32>, vector<16xf32>, vector<16xi32>, f32, i32
            }
            scf.yield %cond3A_261#0, %cond3A_261#1, %cond3A_261#2, %cond3A_261#3, %cond3A_261#4, %cond3A_261#5 : vector<16xf32>, vector<16xi32>, vector<16xf32>, vector<16xi32>, f32, i32
          } else {
            scf.yield %scan3A_96, %scan3A_97, %scan3A_98, %scan3A_99, %scan3A_100, %scan3A_101 : vector<16xf32>, vector<16xi32>, vector<16xf32>, vector<16xi32>, f32, i32
          }
          %mul3A_173 = arith.constant 4 : i32
          %mul3A_174 = arith.muli %scan3A_95, %mul3A_173 : i32
          %add3A_175 = arith.constant 1 : i32
          %add3A_176 = arith.addi %mul3A_174, %add3A_175 : i32
          %mul3A_177 = arith.constant 16 : i32
          %mul3A_178 = arith.muli %add3A_176, %mul3A_177 : i32
          %add3A_179 = vector.broadcast %mul3A_178 : i32 to vector<16xi32>
          %add3A_180 = arith.addi %add3A_179, %iota3A : vector<16xi32>
          %broadcast_in_dim3A_181 = vector.broadcast %cond3A_172#4 : f32 to vector<16xf32>
          %le3A_182 = arith.cmpf ole, %get3A_119, %broadcast_in_dim3A_181 : vector<16xf32>
          %reduce_or3A_183 = arith.constant 1.000000e+00 : f32
          %reduce_or3A_184 = arith.constant 0.000000e+00 : f32
          %reduce_or3A_185 = vector.broadcast %reduce_or3A_183 : f32 to vector<16xf32>
          %reduce_or3A_186 = vector.broadcast %reduce_or3A_184 : f32 to vector<16xf32>
          %reduce_or3A_187 = arith.select %le3A_182, %reduce_or3A_185, %reduce_or3A_186 : vector<16xi1>, vector<16xf32>
          %reduce_or3A_188 = arith.constant true
          %reduce_or3A_189 = vector.broadcast %reduce_or3A_188 : i1 to vector<16xi1>
          %reduce_or3A_190 = tpu.scan <max>, %reduce_or3A_187 masked %reduce_or3A_189 : vector<16xf32>, vector<16xi1> -> vector<16xf32>
          %reduce_or3A_191 = vector.extract %reduce_or3A_190[15] : f32 from vector<16xf32>
          %reduce_or3A_192 = arith.constant 0.000000e+00 : f32
          %reduce_or3A_193 = arith.cmpf ogt, %reduce_or3A_191, %reduce_or3A_192 : f32
          %convert_element_type3A_194 = arith.extui %reduce_or3A_193 : i1 to i32
          %cond3A_195 = arith.constant 0 : i32
          %cond3A_196 = arith.cmpi ne, %convert_element_type3A_194, %cond3A_195 : i32
          %cond3A_197:6 = scf.if %cond3A_196 -> (vector<16xf32>, vector<16xi32>, vector<16xf32>, vector<16xi32>, f32, i32) {
            %swap3A_248 = arith.index_cast %cond3A_172#5 : i32 to index
            %swap3A_249 = tpu.vector_load %arg10[%swap3A_248] masked %le3A_182 {strides = array<i32>} : memref<32xf32, #tpu.memory_space<vmem>>, vector<16xf32>, vector<16xi1>
            tpu.vector_store %arg10[%swap3A_248], %get3A_119 masked %le3A_182 {strides = array<i32>} : memref<32xf32, #tpu.memory_space<vmem>>, vector<16xf32>, vector<16xi1>
            %swap3A_250 = arith.index_cast %cond3A_172#5 : i32 to index
            %swap3A_251 = tpu.vector_load %arg11[%swap3A_250] masked %le3A_182 {strides = array<i32>} : memref<32xi32, #tpu.memory_space<vmem>>, vector<16xi32>, vector<16xi1>
            tpu.vector_store %arg11[%swap3A_250], %add3A_180 masked %le3A_182 {strides = array<i32>} : memref<32xi32, #tpu.memory_space<vmem>>, vector<16xi32>, vector<16xi1>
            %convert_element_type3A_252 = arith.extui %le3A_182 : vector<16xi1> to vector<16xi32>
            %reduce_sum3A = arith.constant true
            %reduce_sum3A_253 = vector.broadcast %reduce_sum3A : i1 to vector<16xi1>
            %reduce_sum3A_254 = tpu.scan <sum>, %convert_element_type3A_252 masked %reduce_sum3A_253 : vector<16xi32>, vector<16xi1> -> vector<16xi32>
            %reduce_sum3A_255 = vector.extract %reduce_sum3A_254[15] : i32 from vector<16xi32>
            %add3A_256 = arith.addi %cond3A_172#5, %reduce_sum3A_255 : i32
            %ge3A = arith.constant 16 : i32
            %ge3A_257 = arith.cmpi sge, %add3A_256, %ge3A : i32
            %convert_element_type3A_258 = arith.extui %ge3A_257 : i1 to i32
            %cond3A_259 = arith.constant 0 : i32
            %cond3A_260 = arith.cmpi ne, %convert_element_type3A_258, %cond3A_259 : i32
            %cond3A_261:6 = scf.if %cond3A_260 -> (vector<16xf32>, vector<16xi32>, vector<16xf32>, vector<16xi32>, f32, i32) {
              %get3A_262 = arith.constant 0 : index
              %get3A_263 = tpu.vector_load %arg10[%get3A_262] {strides = array<i32>} : memref<32xf32, #tpu.memory_space<vmem>>, vector<16xf32>,
              %get3A_264 = arith.constant 0 : index
              %get3A_265 = tpu.vector_load %arg11[%get3A_264] {strides = array<i32>} : memref<32xi32, #tpu.memory_space<vmem>>, vector<16xi32>,
              %masked_sort3A = arith.constant dense<true> : vector<16xi1>
              %masked_sort3A_266, %masked_sort3A_267, %masked_sort3A_268 = tpu.sort %get3A_263, %get3A_265 masked %masked_sort3A : (vector<16xf32>, vector<16xi32>, vector<16xi1>) -> (vector<16xi1>, vector<16xf32>, vector<16xi32>)
              %rev3A = arith.constant 15 : i32
              %rev3A_269 = vector.broadcast %rev3A : i32 to vector<16xi32>
              %rev3A_270 = tpu.iota {dimensions = array<i32: 0>} : vector<16xi32>
              %rev3A_271 = arith.subi %rev3A_269, %rev3A_270 : vector<16xi32>
              %rev3A_272 = tpu.dynamic_gather %masked_sort3A_267[%rev3A_271] in [0] : vector<16xf32>, vector<16xi32> -> vector<16xf32>
              %rev3A_273 = arith.constant 15 : i32
              %rev3A_274 = vector.broadcast %rev3A_273 : i32 to vector<16xi32>
              %rev3A_275 = tpu.iota {dimensions = array<i32: 0>} : vector<16xi32>
              %rev3A_276 = arith.subi %rev3A_274, %rev3A_275 : vector<16xi32>
              %rev3A_277 = tpu.dynamic_gather %masked_sort3A_268[%rev3A_276] in [0] : vector<16xi32>, vector<16xi32> -> vector<16xi32>
              %le3A_278 = arith.cmpf ole, %cond3A_172#2, %rev3A_272 : vector<16xf32>
              %min3A_279 = arith.minimumf %cond3A_172#2, %rev3A_272 : vector<16xf32>
              %select_n3A = arith.select %le3A_278, %cond3A_172#3, %rev3A_277 : vector<16xi1>, vector<16xi32>
              %masked_sort3A_280 = arith.constant dense<true> : vector<16xi1>
              %masked_sort3A_281, %masked_sort3A_282, %masked_sort3A_283 = tpu.sort %min3A_279, %select_n3A masked %masked_sort3A_280 : (vector<16xf32>, vector<16xi32>, vector<16xi1>) -> (vector<16xi1>, vector<16xf32>, vector<16xi32>)
              %rev3A_284 = arith.constant 15 : i32
              %rev3A_285 = vector.broadcast %rev3A_284 : i32 to vector<16xi32>
              %rev3A_286 = tpu.iota {dimensions = array<i32: 0>} : vector<16xi32>
              %rev3A_287 = arith.subi %rev3A_285, %rev3A_286 : vector<16xi32>
              %rev3A_288 = tpu.dynamic_gather %masked_sort3A_282[%rev3A_287] in [0] : vector<16xf32>, vector<16xi32> -> vector<16xf32>
              %rev3A_289 = arith.constant 15 : i32
              %rev3A_290 = vector.broadcast %rev3A_289 : i32 to vector<16xi32>
              %rev3A_291 = tpu.iota {dimensions = array<i32: 0>} : vector<16xi32>
              %rev3A_292 = arith.subi %rev3A_290, %rev3A_291 : vector<16xi32>
              %rev3A_293 = tpu.dynamic_gather %masked_sort3A_283[%rev3A_292] in [0] : vector<16xi32>, vector<16xi32> -> vector<16xi32>
              %le3A_294 = arith.cmpf ole, %cond3A_172#0, %rev3A_288 : vector<16xf32>
              %min3A_295 = arith.minimumf %cond3A_172#0, %rev3A_288 : vector<16xf32>
              %select_n3A_296 = arith.select %le3A_294, %cond3A_172#1, %rev3A_293 : vector<16xi1>, vector<16xi32>
              %max3A = arith.maximumf %cond3A_172#0, %rev3A_288 : vector<16xf32>
              %select_n3A_297 = arith.select %le3A_294, %rev3A_293, %cond3A_172#1 : vector<16xi1>, vector<16xi32>
              %masked_sort3A_298 = arith.constant dense<true> : vector<16xi1>
              %masked_sort3A_299, %masked_sort3A_300, %masked_sort3A_301 = tpu.sort %min3A_295, %select_n3A_296 masked %masked_sort3A_298 : (vector<16xf32>, vector<16xi32>, vector<16xi1>) -> (vector<16xi1>, vector<16xf32>, vector<16xi32>)
              %masked_sort3A_302 = arith.constant dense<true> : vector<16xi1>
              %masked_sort3A_303, %masked_sort3A_304, %masked_sort3A_305 = tpu.sort %max3A, %select_n3A_297 masked %masked_sort3A_302 : (vector<16xf32>, vector<16xi32>, vector<16xi1>) -> (vector<16xi1>, vector<16xf32>, vector<16xi32>)
              %reduce_max3A = arith.constant true
              %reduce_max3A_306 = vector.broadcast %reduce_max3A : i1 to vector<16xi1>
              %reduce_max3A_307 = tpu.scan <max>, %masked_sort3A_304 masked %reduce_max3A_306 : vector<16xf32>, vector<16xi1> -> vector<16xf32>
              %reduce_max3A_308 = vector.extract %reduce_max3A_307[15] : f32 from vector<16xf32>
              %get3A_309 = arith.constant 16 : index
              %get3A_310 = tpu.vector_load %arg10[%get3A_309] {strides = array<i32>} : memref<32xf32, #tpu.memory_space<vmem>>, vector<16xf32>,
              %get3A_311 = arith.constant 16 : index
              %get3A_312 = tpu.vector_load %arg11[%get3A_311] {strides = array<i32>} : memref<32xi32, #tpu.memory_space<vmem>>, vector<16xi32>,
              %swap3A_313 = arith.constant 0 : index
              %swap3A_314 = tpu.vector_load %arg10[%swap3A_313] {strides = array<i32>} : memref<32xf32, #tpu.memory_space<vmem>>, vector<16xf32>,
              tpu.vector_store %arg10[%swap3A_313], %get3A_310 {strides = array<i32>} : memref<32xf32, #tpu.memory_space<vmem>>, vector<16xf32>,
              %swap3A_315 = arith.constant 0 : index
              %swap3A_316 = tpu.vector_load %arg11[%swap3A_315] {strides = array<i32>} : memref<32xi32, #tpu.memory_space<vmem>>, vector<16xi32>,
              tpu.vector_store %arg11[%swap3A_315], %get3A_312 {strides = array<i32>} : memref<32xi32, #tpu.memory_space<vmem>>, vector<16xi32>,
              %sub3A = arith.constant 16 : i32
              %sub3A_317 = arith.subi %add3A_256, %sub3A : i32
              scf.yield %masked_sort3A_300, %masked_sort3A_301, %masked_sort3A_304, %masked_sort3A_305, %reduce_max3A_308, %sub3A_317 : vector<16xf32>, vector<16xi32>, vector<16xf32>, vector<16xi32>, f32, i32
            } else {
              scf.yield %cond3A_172#0, %cond3A_172#1, %cond3A_172#2, %cond3A_172#3, %cond3A_172#4, %add3A_256 : vector<16xf32>, vector<16xi32>, vector<16xf32>, vector<16xi32>, f32, i32
            }
            scf.yield %cond3A_261#0, %cond3A_261#1, %cond3A_261#2, %cond3A_261#3, %cond3A_261#4, %cond3A_261#5 : vector<16xf32>, vector<16xi32>, vector<16xf32>, vector<16xi32>, f32, i32
          } else {
            scf.yield %cond3A_172#0, %cond3A_172#1, %cond3A_172#2, %cond3A_172#3, %cond3A_172#4, %cond3A_172#5 : vector<16xf32>, vector<16xi32>, vector<16xf32>, vector<16xi32>, f32, i32
          }
          %mul3A_198 = arith.constant 4 : i32
          %mul3A_199 = arith.muli %scan3A_95, %mul3A_198 : i32
          %add3A_200 = arith.constant 2 : i32
          %add3A_201 = arith.addi %mul3A_199, %add3A_200 : i32
          %mul3A_202 = arith.constant 16 : i32
          %mul3A_203 = arith.muli %add3A_201, %mul3A_202 : i32
          %add3A_204 = vector.broadcast %mul3A_203 : i32 to vector<16xi32>
          %add3A_205 = arith.addi %add3A_204, %iota3A : vector<16xi32>
          %broadcast_in_dim3A_206 = vector.broadcast %cond3A_197#4 : f32 to vector<16xf32>
          %le3A_207 = arith.cmpf ole, %get3A_128, %broadcast_in_dim3A_206 : vector<16xf32>
          %reduce_or3A_208 = arith.constant 1.000000e+00 : f32
          %reduce_or3A_209 = arith.constant 0.000000e+00 : f32
          %reduce_or3A_210 = vector.broadcast %reduce_or3A_208 : f32 to vector<16xf32>
          %reduce_or3A_211 = vector.broadcast %reduce_or3A_209 : f32 to vector<16xf32>
          %reduce_or3A_212 = arith.select %le3A_207, %reduce_or3A_210, %reduce_or3A_211 : vector<16xi1>, vector<16xf32>
          %reduce_or3A_213 = arith.constant true
          %reduce_or3A_214 = vector.broadcast %reduce_or3A_213 : i1 to vector<16xi1>
          %reduce_or3A_215 = tpu.scan <max>, %reduce_or3A_212 masked %reduce_or3A_214 : vector<16xf32>, vector<16xi1> -> vector<16xf32>
          %reduce_or3A_216 = vector.extract %reduce_or3A_215[15] : f32 from vector<16xf32>
          %reduce_or3A_217 = arith.constant 0.000000e+00 : f32
          %reduce_or3A_218 = arith.cmpf ogt, %reduce_or3A_216, %reduce_or3A_217 : f32
          %convert_element_type3A_219 = arith.extui %reduce_or3A_218 : i1 to i32
          %cond3A_220 = arith.constant 0 : i32
          %cond3A_221 = arith.cmpi ne, %convert_element_type3A_219, %cond3A_220 : i32
          %cond3A_222:6 = scf.if %cond3A_221 -> (vector<16xf32>, vector<16xi32>, vector<16xf32>, vector<16xi32>, f32, i32) {
            %swap3A_248 = arith.index_cast %cond3A_197#5 : i32 to index
            %swap3A_249 = tpu.vector_load %arg10[%swap3A_248] masked %le3A_207 {strides = array<i32>} : memref<32xf32, #tpu.memory_space<vmem>>, vector<16xf32>, vector<16xi1>
            tpu.vector_store %arg10[%swap3A_248], %get3A_128 masked %le3A_207 {strides = array<i32>} : memref<32xf32, #tpu.memory_space<vmem>>, vector<16xf32>, vector<16xi1>
            %swap3A_250 = arith.index_cast %cond3A_197#5 : i32 to index
            %swap3A_251 = tpu.vector_load %arg11[%swap3A_250] masked %le3A_207 {strides = array<i32>} : memref<32xi32, #tpu.memory_space<vmem>>, vector<16xi32>, vector<16xi1>
            tpu.vector_store %arg11[%swap3A_250], %add3A_205 masked %le3A_207 {strides = array<i32>} : memref<32xi32, #tpu.memory_space<vmem>>, vector<16xi32>, vector<16xi1>
            %convert_element_type3A_252 = arith.extui %le3A_207 : vector<16xi1> to vector<16xi32>
            %reduce_sum3A = arith.constant true
            %reduce_sum3A_253 = vector.broadcast %reduce_sum3A : i1 to vector<16xi1>
            %reduce_sum3A_254 = tpu.scan <sum>, %convert_element_type3A_252 masked %reduce_sum3A_253 : vector<16xi32>, vector<16xi1> -> vector<16xi32>
            %reduce_sum3A_255 = vector.extract %reduce_sum3A_254[15] : i32 from vector<16xi32>
            %add3A_256 = arith.addi %cond3A_197#5, %reduce_sum3A_255 : i32
            %ge3A = arith.constant 16 : i32
            %ge3A_257 = arith.cmpi sge, %add3A_256, %ge3A : i32
            %convert_element_type3A_258 = arith.extui %ge3A_257 : i1 to i32
            %cond3A_259 = arith.constant 0 : i32
            %cond3A_260 = arith.cmpi ne, %convert_element_type3A_258, %cond3A_259 : i32
            %cond3A_261:6 = scf.if %cond3A_260 -> (vector<16xf32>, vector<16xi32>, vector<16xf32>, vector<16xi32>, f32, i32) {
              %get3A_262 = arith.constant 0 : index
              %get3A_263 = tpu.vector_load %arg10[%get3A_262] {strides = array<i32>} : memref<32xf32, #tpu.memory_space<vmem>>, vector<16xf32>,
              %get3A_264 = arith.constant 0 : index
              %get3A_265 = tpu.vector_load %arg11[%get3A_264] {strides = array<i32>} : memref<32xi32, #tpu.memory_space<vmem>>, vector<16xi32>,
              %masked_sort3A = arith.constant dense<true> : vector<16xi1>
              %masked_sort3A_266, %masked_sort3A_267, %masked_sort3A_268 = tpu.sort %get3A_263, %get3A_265 masked %masked_sort3A : (vector<16xf32>, vector<16xi32>, vector<16xi1>) -> (vector<16xi1>, vector<16xf32>, vector<16xi32>)
              %rev3A = arith.constant 15 : i32
              %rev3A_269 = vector.broadcast %rev3A : i32 to vector<16xi32>
              %rev3A_270 = tpu.iota {dimensions = array<i32: 0>} : vector<16xi32>
              %rev3A_271 = arith.subi %rev3A_269, %rev3A_270 : vector<16xi32>
              %rev3A_272 = tpu.dynamic_gather %masked_sort3A_267[%rev3A_271] in [0] : vector<16xf32>, vector<16xi32> -> vector<16xf32>
              %rev3A_273 = arith.constant 15 : i32
              %rev3A_274 = vector.broadcast %rev3A_273 : i32 to vector<16xi32>
              %rev3A_275 = tpu.iota {dimensions = array<i32: 0>} : vector<16xi32>
              %rev3A_276 = arith.subi %rev3A_274, %rev3A_275 : vector<16xi32>
              %rev3A_277 = tpu.dynamic_gather %masked_sort3A_268[%rev3A_276] in [0] : vector<16xi32>, vector<16xi32> -> vector<16xi32>
              %le3A_278 = arith.cmpf ole, %cond3A_197#2, %rev3A_272 : vector<16xf32>
              %min3A_279 = arith.minimumf %cond3A_197#2, %rev3A_272 : vector<16xf32>
              %select_n3A = arith.select %le3A_278, %cond3A_197#3, %rev3A_277 : vector<16xi1>, vector<16xi32>
              %masked_sort3A_280 = arith.constant dense<true> : vector<16xi1>
              %masked_sort3A_281, %masked_sort3A_282, %masked_sort3A_283 = tpu.sort %min3A_279, %select_n3A masked %masked_sort3A_280 : (vector<16xf32>, vector<16xi32>, vector<16xi1>) -> (vector<16xi1>, vector<16xf32>, vector<16xi32>)
              %rev3A_284 = arith.constant 15 : i32
              %rev3A_285 = vector.broadcast %rev3A_284 : i32 to vector<16xi32>
              %rev3A_286 = tpu.iota {dimensions = array<i32: 0>} : vector<16xi32>
              %rev3A_287 = arith.subi %rev3A_285, %rev3A_286 : vector<16xi32>
              %rev3A_288 = tpu.dynamic_gather %masked_sort3A_282[%rev3A_287] in [0] : vector<16xf32>, vector<16xi32> -> vector<16xf32>
              %rev3A_289 = arith.constant 15 : i32
              %rev3A_290 = vector.broadcast %rev3A_289 : i32 to vector<16xi32>
              %rev3A_291 = tpu.iota {dimensions = array<i32: 0>} : vector<16xi32>
              %rev3A_292 = arith.subi %rev3A_290, %rev3A_291 : vector<16xi32>
              %rev3A_293 = tpu.dynamic_gather %masked_sort3A_283[%rev3A_292] in [0] : vector<16xi32>, vector<16xi32> -> vector<16xi32>
              %le3A_294 = arith.cmpf ole, %cond3A_197#0, %rev3A_288 : vector<16xf32>
              %min3A_295 = arith.minimumf %cond3A_197#0, %rev3A_288 : vector<16xf32>
              %select_n3A_296 = arith.select %le3A_294, %cond3A_197#1, %rev3A_293 : vector<16xi1>, vector<16xi32>
              %max3A = arith.maximumf %cond3A_197#0, %rev3A_288 : vector<16xf32>
              %select_n3A_297 = arith.select %le3A_294, %rev3A_293, %cond3A_197#1 : vector<16xi1>, vector<16xi32>
              %masked_sort3A_298 = arith.constant dense<true> : vector<16xi1>
              %masked_sort3A_299, %masked_sort3A_300, %masked_sort3A_301 = tpu.sort %min3A_295, %select_n3A_296 masked %masked_sort3A_298 : (vector<16xf32>, vector<16xi32>, vector<16xi1>) -> (vector<16xi1>, vector<16xf32>, vector<16xi32>)
              %masked_sort3A_302 = arith.constant dense<true> : vector<16xi1>
              %masked_sort3A_303, %masked_sort3A_304, %masked_sort3A_305 = tpu.sort %max3A, %select_n3A_297 masked %masked_sort3A_302 : (vector<16xf32>, vector<16xi32>, vector<16xi1>) -> (vector<16xi1>, vector<16xf32>, vector<16xi32>)
              %reduce_max3A = arith.constant true
              %reduce_max3A_306 = vector.broadcast %reduce_max3A : i1 to vector<16xi1>
              %reduce_max3A_307 = tpu.scan <max>, %masked_sort3A_304 masked %reduce_max3A_306 : vector<16xf32>, vector<16xi1> -> vector<16xf32>
              %reduce_max3A_308 = vector.extract %reduce_max3A_307[15] : f32 from vector<16xf32>
              %get3A_309 = arith.constant 16 : index
              %get3A_310 = tpu.vector_load %arg10[%get3A_309] {strides = array<i32>} : memref<32xf32, #tpu.memory_space<vmem>>, vector<16xf32>,
              %get3A_311 = arith.constant 16 : index
              %get3A_312 = tpu.vector_load %arg11[%get3A_311] {strides = array<i32>} : memref<32xi32, #tpu.memory_space<vmem>>, vector<16xi32>,
              %swap3A_313 = arith.constant 0 : index
              %swap3A_314 = tpu.vector_load %arg10[%swap3A_313] {strides = array<i32>} : memref<32xf32, #tpu.memory_space<vmem>>, vector<16xf32>,
              tpu.vector_store %arg10[%swap3A_313], %get3A_310 {strides = array<i32>} : memref<32xf32, #tpu.memory_space<vmem>>, vector<16xf32>,
              %swap3A_315 = arith.constant 0 : index
              %swap3A_316 = tpu.vector_load %arg11[%swap3A_315] {strides = array<i32>} : memref<32xi32, #tpu.memory_space<vmem>>, vector<16xi32>,
              tpu.vector_store %arg11[%swap3A_315], %get3A_312 {strides = array<i32>} : memref<32xi32, #tpu.memory_space<vmem>>, vector<16xi32>,
              %sub3A = arith.constant 16 : i32
              %sub3A_317 = arith.subi %add3A_256, %sub3A : i32
              scf.yield %masked_sort3A_300, %masked_sort3A_301, %masked_sort3A_304, %masked_sort3A_305, %reduce_max3A_308, %sub3A_317 : vector<16xf32>, vector<16xi32>, vector<16xf32>, vector<16xi32>, f32, i32
            } else {
              scf.yield %cond3A_197#0, %cond3A_197#1, %cond3A_197#2, %cond3A_197#3, %cond3A_197#4, %add3A_256 : vector<16xf32>, vector<16xi32>, vector<16xf32>, vector<16xi32>, f32, i32
            }
            scf.yield %cond3A_261#0, %cond3A_261#1, %cond3A_261#2, %cond3A_261#3, %cond3A_261#4, %cond3A_261#5 : vector<16xf32>, vector<16xi32>, vector<16xf32>, vector<16xi32>, f32, i32
          } else {
            scf.yield %cond3A_197#0, %cond3A_197#1, %cond3A_197#2, %cond3A_197#3, %cond3A_197#4, %cond3A_197#5 : vector<16xf32>, vector<16xi32>, vector<16xf32>, vector<16xi32>, f32, i32
          }
          %mul3A_223 = arith.constant 4 : i32
          %mul3A_224 = arith.muli %scan3A_95, %mul3A_223 : i32
          %add3A_225 = arith.constant 3 : i32
          %add3A_226 = arith.addi %mul3A_224, %add3A_225 : i32
          %mul3A_227 = arith.constant 16 : i32
          %mul3A_228 = arith.muli %add3A_226, %mul3A_227 : i32
          %add3A_229 = vector.broadcast %mul3A_228 : i32 to vector<16xi32>
          %add3A_230 = arith.addi %add3A_229, %iota3A : vector<16xi32>
          %broadcast_in_dim3A_231 = vector.broadcast %cond3A_222#4 : f32 to vector<16xf32>
          %le3A_232 = arith.cmpf ole, %get3A_137, %broadcast_in_dim3A_231 : vector<16xf32>
          %reduce_or3A_233 = arith.constant 1.000000e+00 : f32
          %reduce_or3A_234 = arith.constant 0.000000e+00 : f32
          %reduce_or3A_235 = vector.broadcast %reduce_or3A_233 : f32 to vector<16xf32>
          %reduce_or3A_236 = vector.broadcast %reduce_or3A_234 : f32 to vector<16xf32>
          %reduce_or3A_237 = arith.select %le3A_232, %reduce_or3A_235, %reduce_or3A_236 : vector<16xi1>, vector<16xf32>
          %reduce_or3A_238 = arith.constant true
          %reduce_or3A_239 = vector.broadcast %reduce_or3A_238 : i1 to vector<16xi1>
          %reduce_or3A_240 = tpu.scan <max>, %reduce_or3A_237 masked %reduce_or3A_239 : vector<16xf32>, vector<16xi1> -> vector<16xf32>
          %reduce_or3A_241 = vector.extract %reduce_or3A_240[15] : f32 from vector<16xf32>
          %reduce_or3A_242 = arith.constant 0.000000e+00 : f32
          %reduce_or3A_243 = arith.cmpf ogt, %reduce_or3A_241, %reduce_or3A_242 : f32
          %convert_element_type3A_244 = arith.extui %reduce_or3A_243 : i1 to i32
          %cond3A_245 = arith.constant 0 : i32
          %cond3A_246 = arith.cmpi ne, %convert_element_type3A_244, %cond3A_245 : i32
          %cond3A_247:6 = scf.if %cond3A_246 -> (vector<16xf32>, vector<16xi32>, vector<16xf32>, vector<16xi32>, f32, i32) {
            %swap3A_248 = arith.index_cast %cond3A_222#5 : i32 to index
            %swap3A_249 = tpu.vector_load %arg10[%swap3A_248] masked %le3A_232 {strides = array<i32>} : memref<32xf32, #tpu.memory_space<vmem>>, vector<16xf32>, vector<16xi1>
            tpu.vector_store %arg10[%swap3A_248], %get3A_137 masked %le3A_232 {strides = array<i32>} : memref<32xf32, #tpu.memory_space<vmem>>, vector<16xf32>, vector<16xi1>
            %swap3A_250 = arith.index_cast %cond3A_222#5 : i32 to index
            %swap3A_251 = tpu.vector_load %arg11[%swap3A_250] masked %le3A_232 {strides = array<i32>} : memref<32xi32, #tpu.memory_space<vmem>>, vector<16xi32>, vector<16xi1>
            tpu.vector_store %arg11[%swap3A_250], %add3A_230 masked %le3A_232 {strides = array<i32>} : memref<32xi32, #tpu.memory_space<vmem>>, vector<16xi32>, vector<16xi1>
            %convert_element_type3A_252 = arith.extui %le3A_232 : vector<16xi1> to vector<16xi32>
            %reduce_sum3A = arith.constant true
            %reduce_sum3A_253 = vector.broadcast %reduce_sum3A : i1 to vector<16xi1>
            %reduce_sum3A_254 = tpu.scan <sum>, %convert_element_type3A_252 masked %reduce_sum3A_253 : vector<16xi32>, vector<16xi1> -> vector<16xi32>
            %reduce_sum3A_255 = vector.extract %reduce_sum3A_254[15] : i32 from vector<16xi32>
            %add3A_256 = arith.addi %cond3A_222#5, %reduce_sum3A_255 : i32
            %ge3A = arith.constant 16 : i32
            %ge3A_257 = arith.cmpi sge, %add3A_256, %ge3A : i32
            %convert_element_type3A_258 = arith.extui %ge3A_257 : i1 to i32
            %cond3A_259 = arith.constant 0 : i32
            %cond3A_260 = arith.cmpi ne, %convert_element_type3A_258, %cond3A_259 : i32
            %cond3A_261:6 = scf.if %cond3A_260 -> (vector<16xf32>, vector<16xi32>, vector<16xf32>, vector<16xi32>, f32, i32) {
              %get3A_262 = arith.constant 0 : index
              %get3A_263 = tpu.vector_load %arg10[%get3A_262] {strides = array<i32>} : memref<32xf32, #tpu.memory_space<vmem>>, vector<16xf32>,
              %get3A_264 = arith.constant 0 : index
              %get3A_265 = tpu.vector_load %arg11[%get3A_264] {strides = array<i32>} : memref<32xi32, #tpu.memory_space<vmem>>, vector<16xi32>,
              %masked_sort3A = arith.constant dense<true> : vector<16xi1>
              %masked_sort3A_266, %masked_sort3A_267, %masked_sort3A_268 = tpu.sort %get3A_263, %get3A_265 masked %masked_sort3A : (vector<16xf32>, vector<16xi32>, vector<16xi1>) -> (vector<16xi1>, vector<16xf32>, vector<16xi32>)
              %rev3A = arith.constant 15 : i32
              %rev3A_269 = vector.broadcast %rev3A : i32 to vector<16xi32>
              %rev3A_270 = tpu.iota {dimensions = array<i32: 0>} : vector<16xi32>
              %rev3A_271 = arith.subi %rev3A_269, %rev3A_270 : vector<16xi32>
              %rev3A_272 = tpu.dynamic_gather %masked_sort3A_267[%rev3A_271] in [0] : vector<16xf32>, vector<16xi32> -> vector<16xf32>
              %rev3A_273 = arith.constant 15 : i32
              %rev3A_274 = vector.broadcast %rev3A_273 : i32 to vector<16xi32>
              %rev3A_275 = tpu.iota {dimensions = array<i32: 0>} : vector<16xi32>
              %rev3A_276 = arith.subi %rev3A_274, %rev3A_275 : vector<16xi32>
              %rev3A_277 = tpu.dynamic_gather %masked_sort3A_268[%rev3A_276] in [0] : vector<16xi32>, vector<16xi32> -> vector<16xi32>
              %le3A_278 = arith.cmpf ole, %cond3A_222#2, %rev3A_272 : vector<16xf32>
              %min3A_279 = arith.minimumf %cond3A_222#2, %rev3A_272 : vector<16xf32>
              %select_n3A = arith.select %le3A_278, %cond3A_222#3, %rev3A_277 : vector<16xi1>, vector<16xi32>
              %masked_sort3A_280 = arith.constant dense<true> : vector<16xi1>
              %masked_sort3A_281, %masked_sort3A_282, %masked_sort3A_283 = tpu.sort %min3A_279, %select_n3A masked %masked_sort3A_280 : (vector<16xf32>, vector<16xi32>, vector<16xi1>) -> (vector<16xi1>, vector<16xf32>, vector<16xi32>)
              %rev3A_284 = arith.constant 15 : i32
              %rev3A_285 = vector.broadcast %rev3A_284 : i32 to vector<16xi32>
              %rev3A_286 = tpu.iota {dimensions = array<i32: 0>} : vector<16xi32>
              %rev3A_287 = arith.subi %rev3A_285, %rev3A_286 : vector<16xi32>
              %rev3A_288 = tpu.dynamic_gather %masked_sort3A_282[%rev3A_287] in [0] : vector<16xf32>, vector<16xi32> -> vector<16xf32>
              %rev3A_289 = arith.constant 15 : i32
              %rev3A_290 = vector.broadcast %rev3A_289 : i32 to vector<16xi32>
              %rev3A_291 = tpu.iota {dimensions = array<i32: 0>} : vector<16xi32>
              %rev3A_292 = arith.subi %rev3A_290, %rev3A_291 : vector<16xi32>
              %rev3A_293 = tpu.dynamic_gather %masked_sort3A_283[%rev3A_292] in [0] : vector<16xi32>, vector<16xi32> -> vector<16xi32>
              %le3A_294 = arith.cmpf ole, %cond3A_222#0, %rev3A_288 : vector<16xf32>
              %min3A_295 = arith.minimumf %cond3A_222#0, %rev3A_288 : vector<16xf32>
              %select_n3A_296 = arith.select %le3A_294, %cond3A_222#1, %rev3A_293 : vector<16xi1>, vector<16xi32>
              %max3A = arith.maximumf %cond3A_222#0, %rev3A_288 : vector<16xf32>
              %select_n3A_297 = arith.select %le3A_294, %rev3A_293, %cond3A_222#1 : vector<16xi1>, vector<16xi32>
              %masked_sort3A_298 = arith.constant dense<true> : vector<16xi1>
              %masked_sort3A_299, %masked_sort3A_300, %masked_sort3A_301 = tpu.sort %min3A_295, %select_n3A_296 masked %masked_sort3A_298 : (vector<16xf32>, vector<16xi32>, vector<16xi1>) -> (vector<16xi1>, vector<16xf32>, vector<16xi32>)
              %masked_sort3A_302 = arith.constant dense<true> : vector<16xi1>
              %masked_sort3A_303, %masked_sort3A_304, %masked_sort3A_305 = tpu.sort %max3A, %select_n3A_297 masked %masked_sort3A_302 : (vector<16xf32>, vector<16xi32>, vector<16xi1>) -> (vector<16xi1>, vector<16xf32>, vector<16xi32>)
              %reduce_max3A = arith.constant true
              %reduce_max3A_306 = vector.broadcast %reduce_max3A : i1 to vector<16xi1>
              %reduce_max3A_307 = tpu.scan <max>, %masked_sort3A_304 masked %reduce_max3A_306 : vector<16xf32>, vector<16xi1> -> vector<16xf32>
              %reduce_max3A_308 = vector.extract %reduce_max3A_307[15] : f32 from vector<16xf32>
              %get3A_309 = arith.constant 16 : index
              %get3A_310 = tpu.vector_load %arg10[%get3A_309] {strides = array<i32>} : memref<32xf32, #tpu.memory_space<vmem>>, vector<16xf32>,
              %get3A_311 = arith.constant 16 : index
              %get3A_312 = tpu.vector_load %arg11[%get3A_311] {strides = array<i32>} : memref<32xi32, #tpu.memory_space<vmem>>, vector<16xi32>,
              %swap3A_313 = arith.constant 0 : index
              %swap3A_314 = tpu.vector_load %arg10[%swap3A_313] {strides = array<i32>} : memref<32xf32, #tpu.memory_space<vmem>>, vector<16xf32>,
              tpu.vector_store %arg10[%swap3A_313], %get3A_310 {strides = array<i32>} : memref<32xf32, #tpu.memory_space<vmem>>, vector<16xf32>,
              %swap3A_315 = arith.constant 0 : index
              %swap3A_316 = tpu.vector_load %arg11[%swap3A_315] {strides = array<i32>} : memref<32xi32, #tpu.memory_space<vmem>>, vector<16xi32>,
              tpu.vector_store %arg11[%swap3A_315], %get3A_312 {strides = array<i32>} : memref<32xi32, #tpu.memory_space<vmem>>, vector<16xi32>,
              %sub3A = arith.constant 16 : i32
              %sub3A_317 = arith.subi %add3A_256, %sub3A : i32
              scf.yield %masked_sort3A_300, %masked_sort3A_301, %masked_sort3A_304, %masked_sort3A_305, %reduce_max3A_308, %sub3A_317 : vector<16xf32>, vector<16xi32>, vector<16xf32>, vector<16xi32>, f32, i32
            } else {
              scf.yield %cond3A_222#0, %cond3A_222#1, %cond3A_222#2, %cond3A_222#3, %cond3A_222#4, %add3A_256 : vector<16xf32>, vector<16xi32>, vector<16xf32>, vector<16xi32>, f32, i32
            }
            scf.yield %cond3A_261#0, %cond3A_261#1, %cond3A_261#2, %cond3A_261#3, %cond3A_261#4, %cond3A_261#5 : vector<16xf32>, vector<16xi32>, vector<16xf32>, vector<16xi32>, f32, i32
          } else {
            scf.yield %cond3A_222#0, %cond3A_222#1, %cond3A_222#2, %cond3A_222#3, %cond3A_222#4, %cond3A_222#5 : vector<16xf32>, vector<16xi32>, vector<16xf32>, vector<16xi32>, f32, i32
          }
          scf.yield %cond3A_247#0, %cond3A_247#1, %cond3A_247#2, %cond3A_247#3, %cond3A_247#4, %cond3A_247#5 : vector<16xf32>, vector<16xi32>, vector<16xf32>, vector<16xi32>, f32, i32
        } else {
          scf.yield %scan3A_96, %scan3A_97, %scan3A_98, %scan3A_99, %scan3A_100, %scan3A_101 : vector<16xf32>, vector<16xi32>, vector<16xf32>, vector<16xi32>, f32, i32
        }
        scf.yield %cond3A_147#0, %cond3A_147#1, %cond3A_147#2, %cond3A_147#3, %cond3A_147#4, %cond3A_147#5 : vector<16xf32>, vector<16xi32>, vector<16xf32>, vector<16xi32>, f32, i32
      }
      %scan3A_21 = arith.constant 12 : i32
      %get3A = arith.index_cast %scan3A_12 : i32 to index
      %get3A_22 = arith.constant 768 : index
      %get3A_23 = tpu.vector_load %arg6[%get3A, %get3A_22] {strides = array<i32>} : memref<32x784xf32, #tpu.memory_space<vmem>>, vector<16xf32>,
      %add3A_24 = arith.constant 768 : i32
      %add3A_25 = vector.broadcast %add3A_24 : i32 to vector<16xi32>
      %add3A_26 = arith.addi %add3A_25, %iota3A : vector<16xi32>
      %broadcast_in_dim3A_27 = vector.broadcast %scan3A_20#4 : f32 to vector<16xf32>
      %le3A = arith.cmpf ole, %get3A_23, %broadcast_in_dim3A_27 : vector<16xf32>
      %reduce_or3A = arith.constant 1.000000e+00 : f32
      %reduce_or3A_28 = arith.constant 0.000000e+00 : f32
      %reduce_or3A_29 = vector.broadcast %reduce_or3A : f32 to vector<16xf32>
      %reduce_or3A_30 = vector.broadcast %reduce_or3A_28 : f32 to vector<16xf32>
      %reduce_or3A_31 = arith.select %le3A, %reduce_or3A_29, %reduce_or3A_30 : vector<16xi1>, vector<16xf32>
      %reduce_or3A_32 = arith.constant true
      %reduce_or3A_33 = vector.broadcast %reduce_or3A_32 : i1 to vector<16xi1>
      %reduce_or3A_34 = tpu.scan <max>, %reduce_or3A_31 masked %reduce_or3A_33 : vector<16xf32>, vector<16xi1> -> vector<16xf32>
      %reduce_or3A_35 = vector.extract %reduce_or3A_34[15] : f32 from vector<16xf32>
      %reduce_or3A_36 = arith.constant 0.000000e+00 : f32
      %reduce_or3A_37 = arith.cmpf ogt, %reduce_or3A_35, %reduce_or3A_36 : f32
      %convert_element_type3A = arith.extui %reduce_or3A_37 : i1 to i32
      %cond3A = arith.constant 0 : i32
      %cond3A_38 = arith.cmpi ne, %convert_element_type3A, %cond3A : i32
      %cond3A_39:6 = scf.if %cond3A_38 -> (vector<16xf32>, vector<16xi32>, vector<16xf32>, vector<16xi32>, f32, i32) {
        %swap3A_95 = arith.index_cast %scan3A_20#5 : i32 to index
        %swap3A_96 = tpu.vector_load %arg10[%swap3A_95] masked %le3A {strides = array<i32>} : memref<32xf32, #tpu.memory_space<vmem>>, vector<16xf32>, vector<16xi1>
        tpu.vector_store %arg10[%swap3A_95], %get3A_23 masked %le3A {strides = array<i32>} : memref<32xf32, #tpu.memory_space<vmem>>, vector<16xf32>, vector<16xi1>
        %swap3A_97 = arith.index_cast %scan3A_20#5 : i32 to index
        %swap3A_98 = tpu.vector_load %arg11[%swap3A_97] masked %le3A {strides = array<i32>} : memref<32xi32, #tpu.memory_space<vmem>>, vector<16xi32>, vector<16xi1>
        tpu.vector_store %arg11[%swap3A_97], %add3A_26 masked %le3A {strides = array<i32>} : memref<32xi32, #tpu.memory_space<vmem>>, vector<16xi32>, vector<16xi1>
        %convert_element_type3A_99 = arith.extui %le3A : vector<16xi1> to vector<16xi32>
        %reduce_sum3A = arith.constant true
        %reduce_sum3A_100 = vector.broadcast %reduce_sum3A : i1 to vector<16xi1>
        %reduce_sum3A_101 = tpu.scan <sum>, %convert_element_type3A_99 masked %reduce_sum3A_100 : vector<16xi32>, vector<16xi1> -> vector<16xi32>
        %reduce_sum3A_102 = vector.extract %reduce_sum3A_101[15] : i32 from vector<16xi32>
        %add3A_103 = arith.addi %scan3A_20#5, %reduce_sum3A_102 : i32
        %ge3A = arith.constant 16 : i32
        %ge3A_104 = arith.cmpi sge, %add3A_103, %ge3A : i32
        %convert_element_type3A_105 = arith.extui %ge3A_104 : i1 to i32
        %cond3A_106 = arith.constant 0 : i32
        %cond3A_107 = arith.cmpi ne, %convert_element_type3A_105, %cond3A_106 : i32
        %cond3A_108:6 = scf.if %cond3A_107 -> (vector<16xf32>, vector<16xi32>, vector<16xf32>, vector<16xi32>, f32, i32) {
          %get3A_109 = arith.constant 0 : index
          %get3A_110 = tpu.vector_load %arg10[%get3A_109] {strides = array<i32>} : memref<32xf32, #tpu.memory_space<vmem>>, vector<16xf32>,
          %get3A_111 = arith.constant 0 : index
          %get3A_112 = tpu.vector_load %arg11[%get3A_111] {strides = array<i32>} : memref<32xi32, #tpu.memory_space<vmem>>, vector<16xi32>,
          %masked_sort3A = arith.constant dense<true> : vector<16xi1>
          %masked_sort3A_113, %masked_sort3A_114, %masked_sort3A_115 = tpu.sort %get3A_110, %get3A_112 masked %masked_sort3A : (vector<16xf32>, vector<16xi32>, vector<16xi1>) -> (vector<16xi1>, vector<16xf32>, vector<16xi32>)
          %rev3A = arith.constant 15 : i32
          %rev3A_116 = vector.broadcast %rev3A : i32 to vector<16xi32>
          %rev3A_117 = tpu.iota {dimensions = array<i32: 0>} : vector<16xi32>
          %rev3A_118 = arith.subi %rev3A_116, %rev3A_117 : vector<16xi32>
          %rev3A_119 = tpu.dynamic_gather %masked_sort3A_114[%rev3A_118] in [0] : vector<16xf32>, vector<16xi32> -> vector<16xf32>
          %rev3A_120 = arith.constant 15 : i32
          %rev3A_121 = vector.broadcast %rev3A_120 : i32 to vector<16xi32>
          %rev3A_122 = tpu.iota {dimensions = array<i32: 0>} : vector<16xi32>
          %rev3A_123 = arith.subi %rev3A_121, %rev3A_122 : vector<16xi32>
          %rev3A_124 = tpu.dynamic_gather %masked_sort3A_115[%rev3A_123] in [0] : vector<16xi32>, vector<16xi32> -> vector<16xi32>
          %le3A_125 = arith.cmpf ole, %scan3A_20#2, %rev3A_119 : vector<16xf32>
          %min3A = arith.minimumf %scan3A_20#2, %rev3A_119 : vector<16xf32>
          %select_n3A = arith.select %le3A_125, %scan3A_20#3, %rev3A_124 : vector<16xi1>, vector<16xi32>
          %masked_sort3A_126 = arith.constant dense<true> : vector<16xi1>
          %masked_sort3A_127, %masked_sort3A_128, %masked_sort3A_129 = tpu.sort %min3A, %select_n3A masked %masked_sort3A_126 : (vector<16xf32>, vector<16xi32>, vector<16xi1>) -> (vector<16xi1>, vector<16xf32>, vector<16xi32>)
          %rev3A_130 = arith.constant 15 : i32
          %rev3A_131 = vector.broadcast %rev3A_130 : i32 to vector<16xi32>
          %rev3A_132 = tpu.iota {dimensions = array<i32: 0>} : vector<16xi32>
          %rev3A_133 = arith.subi %rev3A_131, %rev3A_132 : vector<16xi32>
          %rev3A_134 = tpu.dynamic_gather %masked_sort3A_128[%rev3A_133] in [0] : vector<16xf32>, vector<16xi32> -> vector<16xf32>
          %rev3A_135 = arith.constant 15 : i32
          %rev3A_136 = vector.broadcast %rev3A_135 : i32 to vector<16xi32>
          %rev3A_137 = tpu.iota {dimensions = array<i32: 0>} : vector<16xi32>
          %rev3A_138 = arith.subi %rev3A_136, %rev3A_137 : vector<16xi32>
          %rev3A_139 = tpu.dynamic_gather %masked_sort3A_129[%rev3A_138] in [0] : vector<16xi32>, vector<16xi32> -> vector<16xi32>
          %le3A_140 = arith.cmpf ole, %scan3A_20#0, %rev3A_134 : vector<16xf32>
          %min3A_141 = arith.minimumf %scan3A_20#0, %rev3A_134 : vector<16xf32>
          %select_n3A_142 = arith.select %le3A_140, %scan3A_20#1, %rev3A_139 : vector<16xi1>, vector<16xi32>
          %max3A = arith.maximumf %scan3A_20#0, %rev3A_134 : vector<16xf32>
          %select_n3A_143 = arith.select %le3A_140, %rev3A_139, %scan3A_20#1 : vector<16xi1>, vector<16xi32>
          %masked_sort3A_144 = arith.constant dense<true> : vector<16xi1>
          %masked_sort3A_145, %masked_sort3A_146, %masked_sort3A_147 = tpu.sort %min3A_141, %select_n3A_142 masked %masked_sort3A_144 : (vector<16xf32>, vector<16xi32>, vector<16xi1>) -> (vector<16xi1>, vector<16xf32>, vector<16xi32>)
          %masked_sort3A_148 = arith.constant dense<true> : vector<16xi1>
          %masked_sort3A_149, %masked_sort3A_150, %masked_sort3A_151 = tpu.sort %max3A, %select_n3A_143 masked %masked_sort3A_148 : (vector<16xf32>, vector<16xi32>, vector<16xi1>) -> (vector<16xi1>, vector<16xf32>, vector<16xi32>)
          %reduce_max3A = arith.constant true
          %reduce_max3A_152 = vector.broadcast %reduce_max3A : i1 to vector<16xi1>
          %reduce_max3A_153 = tpu.scan <max>, %masked_sort3A_150 masked %reduce_max3A_152 : vector<16xf32>, vector<16xi1> -> vector<16xf32>
          %reduce_max3A_154 = vector.extract %reduce_max3A_153[15] : f32 from vector<16xf32>
          %get3A_155 = arith.constant 16 : index
          %get3A_156 = tpu.vector_load %arg10[%get3A_155] {strides = array<i32>} : memref<32xf32, #tpu.memory_space<vmem>>, vector<16xf32>,
          %get3A_157 = arith.constant 16 : index
          %get3A_158 = tpu.vector_load %arg11[%get3A_157] {strides = array<i32>} : memref<32xi32, #tpu.memory_space<vmem>>, vector<16xi32>,
          %swap3A_159 = arith.constant 0 : index
          %swap3A_160 = tpu.vector_load %arg10[%swap3A_159] {strides = array<i32>} : memref<32xf32, #tpu.memory_space<vmem>>, vector<16xf32>,
          tpu.vector_store %arg10[%swap3A_159], %get3A_156 {strides = array<i32>} : memref<32xf32, #tpu.memory_space<vmem>>, vector<16xf32>,
          %swap3A_161 = arith.constant 0 : index
          %swap3A_162 = tpu.vector_load %arg11[%swap3A_161] {strides = array<i32>} : memref<32xi32, #tpu.memory_space<vmem>>, vector<16xi32>,
          tpu.vector_store %arg11[%swap3A_161], %get3A_158 {strides = array<i32>} : memref<32xi32, #tpu.memory_space<vmem>>, vector<16xi32>,
          %sub3A = arith.constant 16 : i32
          %sub3A_163 = arith.subi %add3A_103, %sub3A : i32
          scf.yield %masked_sort3A_146, %masked_sort3A_147, %masked_sort3A_150, %masked_sort3A_151, %reduce_max3A_154, %sub3A_163 : vector<16xf32>, vector<16xi32>, vector<16xf32>, vector<16xi32>, f32, i32
        } else {
          scf.yield %scan3A_20#0, %scan3A_20#1, %scan3A_20#2, %scan3A_20#3, %scan3A_20#4, %add3A_103 : vector<16xf32>, vector<16xi32>, vector<16xf32>, vector<16xi32>, f32, i32
        }
        scf.yield %cond3A_108#0, %cond3A_108#1, %cond3A_108#2, %cond3A_108#3, %cond3A_108#4, %cond3A_108#5 : vector<16xf32>, vector<16xi32>, vector<16xf32>, vector<16xi32>, f32, i32
      } else {
        scf.yield %scan3A_20#0, %scan3A_20#1, %scan3A_20#2, %scan3A_20#3, %scan3A_20#4, %scan3A_20#5 : vector<16xf32>, vector<16xi32>, vector<16xf32>, vector<16xi32>, f32, i32
      }
      %gt3A = arith.constant 0 : i32
      %gt3A_40 = arith.cmpi sgt, %cond3A_39#5, %gt3A : i32
      %convert_element_type3A_41 = arith.extui %gt3A_40 : i1 to i32
      %cond3A_42 = arith.constant 0 : i32
      %cond3A_43 = arith.cmpi ne, %convert_element_type3A_41, %cond3A_42 : i32
      %cond3A_44:6 = scf.if %cond3A_43 -> (vector<16xf32>, vector<16xi32>, vector<16xf32>, vector<16xi32>, f32, i32) {
        %broadcast_in_dim3A_95 = vector.broadcast %cond3A_39#5 : i32 to vector<16xi32>
        %lt3A = arith.cmpi slt, %iota3A, %broadcast_in_dim3A_95 : vector<16xi32>
        %get3A_96 = arith.constant 0 : index
        %get3A_97 = tpu.vector_load %arg10[%get3A_96] {strides = array<i32>} : memref<32xf32, #tpu.memory_space<vmem>>, vector<16xf32>,
        %select_n3A = arith.select %lt3A, %get3A_97, %broadcast_in_dim3A_3 : vector<16xi1>, vector<16xf32>
        %get3A_98 = arith.constant 0 : index
        %get3A_99 = tpu.vector_load %arg11[%get3A_98] {strides = array<i32>} : memref<32xi32, #tpu.memory_space<vmem>>, vector<16xi32>,
        %masked_sort3A = arith.constant dense<true> : vector<16xi1>
        %masked_sort3A_100, %masked_sort3A_101, %masked_sort3A_102 = tpu.sort %select_n3A, %get3A_99 masked %masked_sort3A : (vector<16xf32>, vector<16xi32>, vector<16xi1>) -> (vector<16xi1>, vector<16xf32>, vector<16xi32>)
        %rev3A = arith.constant 15 : i32
        %rev3A_103 = vector.broadcast %rev3A : i32 to vector<16xi32>
        %rev3A_104 = tpu.iota {dimensions = array<i32: 0>} : vector<16xi32>
        %rev3A_105 = arith.subi %rev3A_103, %rev3A_104 : vector<16xi32>
        %rev3A_106 = tpu.dynamic_gather %masked_sort3A_101[%rev3A_105] in [0] : vector<16xf32>, vector<16xi32> -> vector<16xf32>
        %rev3A_107 = arith.constant 15 : i32
        %rev3A_108 = vector.broadcast %rev3A_107 : i32 to vector<16xi32>
        %rev3A_109 = tpu.iota {dimensions = array<i32: 0>} : vector<16xi32>
        %rev3A_110 = arith.subi %rev3A_108, %rev3A_109 : vector<16xi32>
        %rev3A_111 = tpu.dynamic_gather %masked_sort3A_102[%rev3A_110] in [0] : vector<16xi32>, vector<16xi32> -> vector<16xi32>
        %le3A_112 = arith.cmpf ole, %cond3A_39#2, %rev3A_106 : vector<16xf32>
        %min3A = arith.minimumf %cond3A_39#2, %rev3A_106 : vector<16xf32>
        %select_n3A_113 = arith.select %le3A_112, %cond3A_39#3, %rev3A_111 : vector<16xi1>, vector<16xi32>
        %masked_sort3A_114 = arith.constant dense<true> : vector<16xi1>
        %masked_sort3A_115, %masked_sort3A_116, %masked_sort3A_117 = tpu.sort %min3A, %select_n3A_113 masked %masked_sort3A_114 : (vector<16xf32>, vector<16xi32>, vector<16xi1>) -> (vector<16xi1>, vector<16xf32>, vector<16xi32>)
        %rev3A_118 = arith.constant 15 : i32
        %rev3A_119 = vector.broadcast %rev3A_118 : i32 to vector<16xi32>
        %rev3A_120 = tpu.iota {dimensions = array<i32: 0>} : vector<16xi32>
        %rev3A_121 = arith.subi %rev3A_119, %rev3A_120 : vector<16xi32>
        %rev3A_122 = tpu.dynamic_gather %masked_sort3A_116[%rev3A_121] in [0] : vector<16xf32>, vector<16xi32> -> vector<16xf32>
        %rev3A_123 = arith.constant 15 : i32
        %rev3A_124 = vector.broadcast %rev3A_123 : i32 to vector<16xi32>
        %rev3A_125 = tpu.iota {dimensions = array<i32: 0>} : vector<16xi32>
        %rev3A_126 = arith.subi %rev3A_124, %rev3A_125 : vector<16xi32>
        %rev3A_127 = tpu.dynamic_gather %masked_sort3A_117[%rev3A_126] in [0] : vector<16xi32>, vector<16xi32> -> vector<16xi32>
        %le3A_128 = arith.cmpf ole, %cond3A_39#0, %rev3A_122 : vector<16xf32>
        %min3A_129 = arith.minimumf %cond3A_39#0, %rev3A_122 : vector<16xf32>
        %select_n3A_130 = arith.select %le3A_128, %cond3A_39#1, %rev3A_127 : vector<16xi1>, vector<16xi32>
        %max3A = arith.maximumf %cond3A_39#0, %rev3A_122 : vector<16xf32>
        %select_n3A_131 = arith.select %le3A_128, %rev3A_127, %cond3A_39#1 : vector<16xi1>, vector<16xi32>
        %masked_sort3A_132 = arith.constant dense<true> : vector<16xi1>
        %masked_sort3A_133, %masked_sort3A_134, %masked_sort3A_135 = tpu.sort %min3A_129, %select_n3A_130 masked %masked_sort3A_132 : (vector<16xf32>, vector<16xi32>, vector<16xi1>) -> (vector<16xi1>, vector<16xf32>, vector<16xi32>)
        %masked_sort3A_136 = arith.constant dense<true> : vector<16xi1>
        %masked_sort3A_137, %masked_sort3A_138, %masked_sort3A_139 = tpu.sort %max3A, %select_n3A_131 masked %masked_sort3A_136 : (vector<16xf32>, vector<16xi32>, vector<16xi1>) -> (vector<16xi1>, vector<16xf32>, vector<16xi32>)
        %reduce_max3A = arith.constant true
        %reduce_max3A_140 = vector.broadcast %reduce_max3A : i1 to vector<16xi1>
        %reduce_max3A_141 = tpu.scan <max>, %masked_sort3A_138 masked %reduce_max3A_140 : vector<16xf32>, vector<16xi1> -> vector<16xf32>
        %reduce_max3A_142 = vector.extract %reduce_max3A_141[15] : f32 from vector<16xf32>
        %cond3A_143 = arith.constant 0 : i32
        scf.yield %masked_sort3A_134, %masked_sort3A_135, %masked_sort3A_138, %masked_sort3A_139, %reduce_max3A_142, %cond3A_143 : vector<16xf32>, vector<16xi32>, vector<16xf32>, vector<16xi32>, f32, i32
      } else {
        scf.yield %cond3A_39#0, %cond3A_39#1, %cond3A_39#2, %cond3A_39#3, %cond3A_39#4, %cond3A_39#5 : vector<16xf32>, vector<16xi32>, vector<16xf32>, vector<16xi32>, f32, i32
      }
      %add3A_45 = arith.addi %mul3A_2, %scan3A_12 : i32
      %mul3A_46 = arith.constant 784 : i32
      %mul3A_47 = arith.muli %add3A_45, %mul3A_46 : i32
      %add3A_48 = vector.broadcast %mul3A_47 : i32 to vector<16xi32>
      %add3A_49 = arith.addi %add3A_48, %cond3A_44#1 : vector<16xi32>
      %swap3A = arith.constant 0 : index
      %swap3A_50 = tpu.vector_load %arg8[%swap3A] {strides = array<i32>} : memref<32xi32, #tpu.memory_space<vmem>>, vector<16xi32>,
      tpu.vector_store %arg8[%swap3A], %add3A_49 {strides = array<i32>} : memref<32xi32, #tpu.memory_space<vmem>>, vector<16xi32>,
      %add3A_51 = vector.broadcast %mul3A_47 : i32 to vector<16xi32>
      %add3A_52 = arith.addi %add3A_51, %cond3A_44#3 : vector<16xi32>
      %swap3A_53 = arith.constant 16 : index
      %swap3A_54 = tpu.vector_load %arg8[%swap3A_53] {strides = array<i32>} : memref<32xi32, #tpu.memory_space<vmem>>, vector<16xi32>,
      tpu.vector_store %arg8[%swap3A_53], %add3A_52 {strides = array<i32>} : memref<32xi32, #tpu.memory_space<vmem>>, vector<16xi32>,
      %mul3A_55 = arith.constant 128 : i32
      %mul3A_56 = vector.broadcast %mul3A_55 : i32 to vector<16xi32>
      %mul3A_57 = arith.muli %cond3A_44#1, %mul3A_56 : vector<16xi32>
      %swap3A_58 = arith.constant 0 : index
      %swap3A_59 = tpu.vector_load %arg9[%swap3A_58] {strides = array<i32>} : memref<32xi32, #tpu.memory_space<vmem>>, vector<16xi32>,
      tpu.vector_store %arg9[%swap3A_58], %mul3A_57 {strides = array<i32>} : memref<32xi32, #tpu.memory_space<vmem>>, vector<16xi32>,
      %mul3A_60 = arith.constant 128 : i32
      %mul3A_61 = vector.broadcast %mul3A_60 : i32 to vector<16xi32>
      %mul3A_62 = arith.muli %cond3A_44#3, %mul3A_61 : vector<16xi32>
      %swap3A_63 = arith.constant 16 : index
      %swap3A_64 = tpu.vector_load %arg9[%swap3A_63] {strides = array<i32>} : memref<32xi32, #tpu.memory_space<vmem>>, vector<16xi32>,
      tpu.vector_store %arg9[%swap3A_63], %mul3A_62 {strides = array<i32>} : memref<32xi32, #tpu.memory_space<vmem>>, vector<16xi32>,
      %dma_start3A = arith.constant 0 : i32
      %dma_start3A_65 = arith.constant 0 : i32
      %dma_start3A_66 = tpu.memref_slice %arg3[%dma_start3A, %dma_start3A_65] : memref<802816x128xf32, #tpu.memory_space<hbm>> -> memref<802816x128xf32, #tpu.memory_space<hbm>>
      tpu.enqueue_indirect_dma source(%dma_start3A_66 : memref<802816x128xf32, #tpu.memory_space<hbm>>) target(%arg7 : memref<32x128xf32, #tpu.memory_space<vmem>>) offsets(%arg8 : memref<32xi32, #tpu.memory_space<vmem>>) semaphore(%arg14 : memref<!tpu.dma_semaphore, #tpu.memory_space<semaphore_mem>>)
      %dma_wait3A = arith.constant 0 : i32
      %dma_wait3A_67 = arith.constant 0 : i32
      %dma_wait3A_68 = tpu.memref_slice %arg3[%dma_wait3A, %dma_wait3A_67] : memref<802816x128xf32, #tpu.memory_space<hbm>> -> memref<802816x128xf32, #tpu.memory_space<hbm>>
      tpu.wait_indirect_dma semaphore(%arg14 : memref<!tpu.dma_semaphore, #tpu.memory_space<semaphore_mem>>) src(%dma_wait3A_68 : memref<802816x128xf32, #tpu.memory_space<hbm>>) dst(%arg7 : memref<32x128xf32, #tpu.memory_space<vmem>>)
      %scan3A_69 = arith.constant 0 : i32
      %scan3A_70 = arith.constant 0 : i32
      %scan3A_71 = arith.constant 64 : i32
      %scan3A_72 = arith.addi %scan3A_70, %scan3A_71 : i32
      %scan3A_73 = arith.constant 1 : i32
      %scan3A_74:6 = scf.for %scan3A_95 = %scan3A_70 to %scan3A_72 step %scan3A_73 iter_args(%scan3A_96 = %broadcast_in_dim3A_3, %scan3A_97 = %broadcast_in_dim3A_5, %scan3A_98 = %broadcast_in_dim3A_3, %scan3A_99 = %broadcast_in_dim3A_5, %scan3A_100 = %cond3A_44#4, %scan3A_101 = %scan3A_69) -> (vector<16xf32>, vector<16xi32>, vector<16xf32>, vector<16xi32>, f32, i32)  : i32 {
        %jit3A = arith.constant 2 : i32
        %div3A = arith.divsi %scan3A_95, %jit3A : i32
        %sign3A = arith.constant 0 : i32
        %sign3A_102 = arith.cmpi sgt, %scan3A_95, %sign3A : i32
        %sign3A_103 = arith.extui %sign3A_102 : i1 to i32
        %sign3A_104 = arith.constant 0 : i32
        %sign3A_105 = arith.cmpi slt, %scan3A_95, %sign3A_104 : i32
        %sign3A_106 = arith.extui %sign3A_105 : i1 to i32
        %sign3A_107 = arith.subi %sign3A_103, %sign3A_106 : i32
        %sign3A_108 = arith.constant 0 : i32
        %sign3A_109 = arith.cmpi sgt, %jit3A, %sign3A_108 : i32
        %sign3A_110 = arith.extui %sign3A_109 : i1 to i32
        %sign3A_111 = arith.constant 0 : i32
        %sign3A_112 = arith.cmpi slt, %jit3A, %sign3A_111 : i32
        %sign3A_113 = arith.extui %sign3A_112 : i1 to i32
        %sign3A_114 = arith.subi %sign3A_110, %sign3A_113 : i32
        %ne3A = arith.cmpi ne, %sign3A_107, %sign3A_114 : i32
        %rem3A = arith.remsi %scan3A_95, %jit3A : i32
        %ne3A_115 = arith.constant 0 : i32
        %ne3A_116 = arith.cmpi ne, %rem3A, %ne3A_115 : i32
        %and3A = arith.andi %ne3A, %ne3A_116 : i1
        %sub3A = arith.constant 1 : i32
        %sub3A_117 = arith.subi %div3A, %sub3A : i32
        %select_n3A = arith.select %and3A, %sub3A_117, %div3A : i32
        %jit3A_118 = arith.constant 2 : i32
        %eq3A = arith.constant 0 : i32
        %eq3A_119 = arith.cmpi eq, %jit3A_118, %eq3A : i32
        %jit3A_120 = arith.constant 1 : i32
        %select_n3A_121 = arith.select %eq3A_119, %jit3A_120, %jit3A_118 : i32
        %rem3A_122 = arith.remsi %scan3A_95, %select_n3A_121 : i32
        %ne3A_123 = arith.constant 0 : i32
        %ne3A_124 = arith.cmpi ne, %rem3A_122, %ne3A_123 : i32
        %lt3A = arith.constant 0 : i32
        %lt3A_125 = arith.cmpi slt, %rem3A_122, %lt3A : i32
        %lt3A_126 = arith.constant 0 : i32
        %lt3A_127 = arith.cmpi slt, %select_n3A_121, %lt3A_126 : i32
        %ne3A_128 = arith.xori %lt3A_125, %lt3A_127 : i1
        %and3A_129 = arith.andi %ne3A_128, %ne3A_124 : i1
        %add3A_130 = arith.addi %rem3A_122, %select_n3A_121 : i32
        %select_n3A_131 = arith.select %and3A_129, %add3A_130, %rem3A_122 : i32
        %mul3A_132 = arith.constant 64 : i32
        %mul3A_133 = arith.muli %select_n3A_131, %mul3A_132 : i32
        %add3A_134 = arith.constant 0 : i32
        %add3A_135 = arith.addi %mul3A_133, %add3A_134 : i32
        %get3A_136 = arith.index_cast %select_n3A : i32 to index
        %get3A_137 = arith.index_cast %add3A_135 : i32 to index
        %get3A_138 = tpu.vector_load %arg7[%get3A_136, %get3A_137] {strides = array<i32>} : memref<32x128xf32, #tpu.memory_space<vmem>>, vector<16xf32>,
        %add3A_139 = arith.constant 16 : i32
        %add3A_140 = arith.addi %mul3A_133, %add3A_139 : i32
        %get3A_141 = arith.index_cast %select_n3A : i32 to index
        %get3A_142 = arith.index_cast %add3A_140 : i32 to index
        %get3A_143 = tpu.vector_load %arg7[%get3A_141, %get3A_142] {strides = array<i32>} : memref<32x128xf32, #tpu.memory_space<vmem>>, vector<16xf32>,
        %add3A_144 = arith.constant 32 : i32
        %add3A_145 = arith.addi %mul3A_133, %add3A_144 : i32
        %get3A_146 = arith.index_cast %select_n3A : i32 to index
        %get3A_147 = arith.index_cast %add3A_145 : i32 to index
        %get3A_148 = tpu.vector_load %arg7[%get3A_146, %get3A_147] {strides = array<i32>} : memref<32x128xf32, #tpu.memory_space<vmem>>, vector<16xf32>,
        %add3A_149 = arith.constant 48 : i32
        %add3A_150 = arith.addi %mul3A_133, %add3A_149 : i32
        %get3A_151 = arith.index_cast %select_n3A : i32 to index
        %get3A_152 = arith.index_cast %add3A_150 : i32 to index
        %get3A_153 = tpu.vector_load %arg7[%get3A_151, %get3A_152] {strides = array<i32>} : memref<32x128xf32, #tpu.memory_space<vmem>>, vector<16xf32>,
        %min3A = arith.minimumf %get3A_138, %get3A_143 : vector<16xf32>
        %min3A_154 = arith.minimumf %get3A_148, %get3A_153 : vector<16xf32>
        %min3A_155 = arith.minimumf %min3A, %min3A_154 : vector<16xf32>
        %reduce_min3A = arith.constant true
        %reduce_min3A_156 = vector.broadcast %reduce_min3A : i1 to vector<16xi1>
        %reduce_min3A_157 = tpu.scan <min>, %min3A_155 masked %reduce_min3A_156 : vector<16xf32>, vector<16xi1> -> vector<16xf32>
        %reduce_min3A_158 = vector.extract %reduce_min3A_157[15] : f32 from vector<16xf32>
        %le3A_159 = arith.cmpf ole, %reduce_min3A_158, %scan3A_100 : f32
        %convert_element_type3A_160 = arith.extui %le3A_159 : i1 to i32
        %cond3A_161 = arith.constant 0 : i32
        %cond3A_162 = arith.cmpi ne, %convert_element_type3A_160, %cond3A_161 : i32
        %cond3A_163:6 = scf.if %cond3A_162 -> (vector<16xf32>, vector<16xi32>, vector<16xf32>, vector<16xi32>, f32, i32) {
          %broadcast_in_dim3A_164 = vector.broadcast %select_n3A : i32 to vector<16xi32>
          %gather3A = tpu.vector_load_idx %arg9[%broadcast_in_dim3A_164] : memref<32xi32, #tpu.memory_space<vmem>>[vector<16xi32>], vector<16xi32>,
          %add3A_165 = vector.broadcast %mul3A_133 : i32 to vector<16xi32>
          %add3A_166 = arith.addi %gather3A, %add3A_165 : vector<16xi32>
          %add3A_167 = arith.constant 0 : i32
          %add3A_168 = vector.broadcast %add3A_167 : i32 to vector<16xi32>
          %add3A_169 = arith.addi %add3A_166, %add3A_168 : vector<16xi32>
          %add3A_170 = arith.addi %add3A_169, %iota3A : vector<16xi32>
          %broadcast_in_dim3A_171 = vector.broadcast %scan3A_100 : f32 to vector<16xf32>
          %le3A_172 = arith.cmpf ole, %get3A_138, %broadcast_in_dim3A_171 : vector<16xf32>
          %reduce_or3A_173 = arith.constant 1.000000e+00 : f32
          %reduce_or3A_174 = arith.constant 0.000000e+00 : f32
          %reduce_or3A_175 = vector.broadcast %reduce_or3A_173 : f32 to vector<16xf32>
          %reduce_or3A_176 = vector.broadcast %reduce_or3A_174 : f32 to vector<16xf32>
          %reduce_or3A_177 = arith.select %le3A_172, %reduce_or3A_175, %reduce_or3A_176 : vector<16xi1>, vector<16xf32>
          %reduce_or3A_178 = arith.constant true
          %reduce_or3A_179 = vector.broadcast %reduce_or3A_178 : i1 to vector<16xi1>
          %reduce_or3A_180 = tpu.scan <max>, %reduce_or3A_177 masked %reduce_or3A_179 : vector<16xf32>, vector<16xi1> -> vector<16xf32>
          %reduce_or3A_181 = vector.extract %reduce_or3A_180[15] : f32 from vector<16xf32>
          %reduce_or3A_182 = arith.constant 0.000000e+00 : f32
          %reduce_or3A_183 = arith.cmpf ogt, %reduce_or3A_181, %reduce_or3A_182 : f32
          %convert_element_type3A_184 = arith.extui %reduce_or3A_183 : i1 to i32
          %cond3A_185 = arith.constant 0 : i32
          %cond3A_186 = arith.cmpi ne, %convert_element_type3A_184, %cond3A_185 : i32
          %cond3A_187:6 = scf.if %cond3A_186 -> (vector<16xf32>, vector<16xi32>, vector<16xf32>, vector<16xi32>, f32, i32) {
            %swap3A_257 = arith.index_cast %scan3A_101 : i32 to index
            %swap3A_258 = tpu.vector_load %arg10[%swap3A_257] masked %le3A_172 {strides = array<i32>} : memref<32xf32, #tpu.memory_space<vmem>>, vector<16xf32>, vector<16xi1>
            tpu.vector_store %arg10[%swap3A_257], %get3A_138 masked %le3A_172 {strides = array<i32>} : memref<32xf32, #tpu.memory_space<vmem>>, vector<16xf32>, vector<16xi1>
            %swap3A_259 = arith.index_cast %scan3A_101 : i32 to index
            %swap3A_260 = tpu.vector_load %arg11[%swap3A_259] masked %le3A_172 {strides = array<i32>} : memref<32xi32, #tpu.memory_space<vmem>>, vector<16xi32>, vector<16xi1>
            tpu.vector_store %arg11[%swap3A_259], %add3A_170 masked %le3A_172 {strides = array<i32>} : memref<32xi32, #tpu.memory_space<vmem>>, vector<16xi32>, vector<16xi1>
            %convert_element_type3A_261 = arith.extui %le3A_172 : vector<16xi1> to vector<16xi32>
            %reduce_sum3A = arith.constant true
            %reduce_sum3A_262 = vector.broadcast %reduce_sum3A : i1 to vector<16xi1>
            %reduce_sum3A_263 = tpu.scan <sum>, %convert_element_type3A_261 masked %reduce_sum3A_262 : vector<16xi32>, vector<16xi1> -> vector<16xi32>
            %reduce_sum3A_264 = vector.extract %reduce_sum3A_263[15] : i32 from vector<16xi32>
            %add3A_265 = arith.addi %scan3A_101, %reduce_sum3A_264 : i32
            %ge3A = arith.constant 16 : i32
            %ge3A_266 = arith.cmpi sge, %add3A_265, %ge3A : i32
            %convert_element_type3A_267 = arith.extui %ge3A_266 : i1 to i32
            %cond3A_268 = arith.constant 0 : i32
            %cond3A_269 = arith.cmpi ne, %convert_element_type3A_267, %cond3A_268 : i32
            %cond3A_270:6 = scf.if %cond3A_269 -> (vector<16xf32>, vector<16xi32>, vector<16xf32>, vector<16xi32>, f32, i32) {
              %get3A_271 = arith.constant 0 : index
              %get3A_272 = tpu.vector_load %arg10[%get3A_271] {strides = array<i32>} : memref<32xf32, #tpu.memory_space<vmem>>, vector<16xf32>,
              %get3A_273 = arith.constant 0 : index
              %get3A_274 = tpu.vector_load %arg11[%get3A_273] {strides = array<i32>} : memref<32xi32, #tpu.memory_space<vmem>>, vector<16xi32>,
              %masked_sort3A = arith.constant dense<true> : vector<16xi1>
              %masked_sort3A_275, %masked_sort3A_276, %masked_sort3A_277 = tpu.sort %get3A_272, %get3A_274 masked %masked_sort3A : (vector<16xf32>, vector<16xi32>, vector<16xi1>) -> (vector<16xi1>, vector<16xf32>, vector<16xi32>)
              %rev3A = arith.constant 15 : i32
              %rev3A_278 = vector.broadcast %rev3A : i32 to vector<16xi32>
              %rev3A_279 = tpu.iota {dimensions = array<i32: 0>} : vector<16xi32>
              %rev3A_280 = arith.subi %rev3A_278, %rev3A_279 : vector<16xi32>
              %rev3A_281 = tpu.dynamic_gather %masked_sort3A_276[%rev3A_280] in [0] : vector<16xf32>, vector<16xi32> -> vector<16xf32>
              %rev3A_282 = arith.constant 15 : i32
              %rev3A_283 = vector.broadcast %rev3A_282 : i32 to vector<16xi32>
              %rev3A_284 = tpu.iota {dimensions = array<i32: 0>} : vector<16xi32>
              %rev3A_285 = arith.subi %rev3A_283, %rev3A_284 : vector<16xi32>
              %rev3A_286 = tpu.dynamic_gather %masked_sort3A_277[%rev3A_285] in [0] : vector<16xi32>, vector<16xi32> -> vector<16xi32>
              %le3A_287 = arith.cmpf ole, %scan3A_98, %rev3A_281 : vector<16xf32>
              %min3A_288 = arith.minimumf %scan3A_98, %rev3A_281 : vector<16xf32>
              %select_n3A_289 = arith.select %le3A_287, %scan3A_99, %rev3A_286 : vector<16xi1>, vector<16xi32>
              %masked_sort3A_290 = arith.constant dense<true> : vector<16xi1>
              %masked_sort3A_291, %masked_sort3A_292, %masked_sort3A_293 = tpu.sort %min3A_288, %select_n3A_289 masked %masked_sort3A_290 : (vector<16xf32>, vector<16xi32>, vector<16xi1>) -> (vector<16xi1>, vector<16xf32>, vector<16xi32>)
              %rev3A_294 = arith.constant 15 : i32
              %rev3A_295 = vector.broadcast %rev3A_294 : i32 to vector<16xi32>
              %rev3A_296 = tpu.iota {dimensions = array<i32: 0>} : vector<16xi32>
              %rev3A_297 = arith.subi %rev3A_295, %rev3A_296 : vector<16xi32>
              %rev3A_298 = tpu.dynamic_gather %masked_sort3A_292[%rev3A_297] in [0] : vector<16xf32>, vector<16xi32> -> vector<16xf32>
              %rev3A_299 = arith.constant 15 : i32
              %rev3A_300 = vector.broadcast %rev3A_299 : i32 to vector<16xi32>
              %rev3A_301 = tpu.iota {dimensions = array<i32: 0>} : vector<16xi32>
              %rev3A_302 = arith.subi %rev3A_300, %rev3A_301 : vector<16xi32>
              %rev3A_303 = tpu.dynamic_gather %masked_sort3A_293[%rev3A_302] in [0] : vector<16xi32>, vector<16xi32> -> vector<16xi32>
              %le3A_304 = arith.cmpf ole, %scan3A_96, %rev3A_298 : vector<16xf32>
              %min3A_305 = arith.minimumf %scan3A_96, %rev3A_298 : vector<16xf32>
              %select_n3A_306 = arith.select %le3A_304, %scan3A_97, %rev3A_303 : vector<16xi1>, vector<16xi32>
              %max3A = arith.maximumf %scan3A_96, %rev3A_298 : vector<16xf32>
              %select_n3A_307 = arith.select %le3A_304, %rev3A_303, %scan3A_97 : vector<16xi1>, vector<16xi32>
              %masked_sort3A_308 = arith.constant dense<true> : vector<16xi1>
              %masked_sort3A_309, %masked_sort3A_310, %masked_sort3A_311 = tpu.sort %min3A_305, %select_n3A_306 masked %masked_sort3A_308 : (vector<16xf32>, vector<16xi32>, vector<16xi1>) -> (vector<16xi1>, vector<16xf32>, vector<16xi32>)
              %masked_sort3A_312 = arith.constant dense<true> : vector<16xi1>
              %masked_sort3A_313, %masked_sort3A_314, %masked_sort3A_315 = tpu.sort %max3A, %select_n3A_307 masked %masked_sort3A_312 : (vector<16xf32>, vector<16xi32>, vector<16xi1>) -> (vector<16xi1>, vector<16xf32>, vector<16xi32>)
              %reduce_max3A = arith.constant true
              %reduce_max3A_316 = vector.broadcast %reduce_max3A : i1 to vector<16xi1>
              %reduce_max3A_317 = tpu.scan <max>, %masked_sort3A_314 masked %reduce_max3A_316 : vector<16xf32>, vector<16xi1> -> vector<16xf32>
              %reduce_max3A_318 = vector.extract %reduce_max3A_317[15] : f32 from vector<16xf32>
              %get3A_319 = arith.constant 16 : index
              %get3A_320 = tpu.vector_load %arg10[%get3A_319] {strides = array<i32>} : memref<32xf32, #tpu.memory_space<vmem>>, vector<16xf32>,
              %get3A_321 = arith.constant 16 : index
              %get3A_322 = tpu.vector_load %arg11[%get3A_321] {strides = array<i32>} : memref<32xi32, #tpu.memory_space<vmem>>, vector<16xi32>,
              %swap3A_323 = arith.constant 0 : index
              %swap3A_324 = tpu.vector_load %arg10[%swap3A_323] {strides = array<i32>} : memref<32xf32, #tpu.memory_space<vmem>>, vector<16xf32>,
              tpu.vector_store %arg10[%swap3A_323], %get3A_320 {strides = array<i32>} : memref<32xf32, #tpu.memory_space<vmem>>, vector<16xf32>,
              %swap3A_325 = arith.constant 0 : index
              %swap3A_326 = tpu.vector_load %arg11[%swap3A_325] {strides = array<i32>} : memref<32xi32, #tpu.memory_space<vmem>>, vector<16xi32>,
              tpu.vector_store %arg11[%swap3A_325], %get3A_322 {strides = array<i32>} : memref<32xi32, #tpu.memory_space<vmem>>, vector<16xi32>,
              %sub3A_327 = arith.constant 16 : i32
              %sub3A_328 = arith.subi %add3A_265, %sub3A_327 : i32
              scf.yield %masked_sort3A_310, %masked_sort3A_311, %masked_sort3A_314, %masked_sort3A_315, %reduce_max3A_318, %sub3A_328 : vector<16xf32>, vector<16xi32>, vector<16xf32>, vector<16xi32>, f32, i32
            } else {
              scf.yield %scan3A_96, %scan3A_97, %scan3A_98, %scan3A_99, %scan3A_100, %add3A_265 : vector<16xf32>, vector<16xi32>, vector<16xf32>, vector<16xi32>, f32, i32
            }
            scf.yield %cond3A_270#0, %cond3A_270#1, %cond3A_270#2, %cond3A_270#3, %cond3A_270#4, %cond3A_270#5 : vector<16xf32>, vector<16xi32>, vector<16xf32>, vector<16xi32>, f32, i32
          } else {
            scf.yield %scan3A_96, %scan3A_97, %scan3A_98, %scan3A_99, %scan3A_100, %scan3A_101 : vector<16xf32>, vector<16xi32>, vector<16xf32>, vector<16xi32>, f32, i32
          }
          %add3A_188 = vector.broadcast %mul3A_133 : i32 to vector<16xi32>
          %add3A_189 = arith.addi %gather3A, %add3A_188 : vector<16xi32>
          %add3A_190 = arith.constant 16 : i32
          %add3A_191 = vector.broadcast %add3A_190 : i32 to vector<16xi32>
          %add3A_192 = arith.addi %add3A_189, %add3A_191 : vector<16xi32>
          %add3A_193 = arith.addi %add3A_192, %iota3A : vector<16xi32>
          %broadcast_in_dim3A_194 = vector.broadcast %cond3A_187#4 : f32 to vector<16xf32>
          %le3A_195 = arith.cmpf ole, %get3A_143, %broadcast_in_dim3A_194 : vector<16xf32>
          %reduce_or3A_196 = arith.constant 1.000000e+00 : f32
          %reduce_or3A_197 = arith.constant 0.000000e+00 : f32
          %reduce_or3A_198 = vector.broadcast %reduce_or3A_196 : f32 to vector<16xf32>
          %reduce_or3A_199 = vector.broadcast %reduce_or3A_197 : f32 to vector<16xf32>
          %reduce_or3A_200 = arith.select %le3A_195, %reduce_or3A_198, %reduce_or3A_199 : vector<16xi1>, vector<16xf32>
          %reduce_or3A_201 = arith.constant true
          %reduce_or3A_202 = vector.broadcast %reduce_or3A_201 : i1 to vector<16xi1>
          %reduce_or3A_203 = tpu.scan <max>, %reduce_or3A_200 masked %reduce_or3A_202 : vector<16xf32>, vector<16xi1> -> vector<16xf32>
          %reduce_or3A_204 = vector.extract %reduce_or3A_203[15] : f32 from vector<16xf32>
          %reduce_or3A_205 = arith.constant 0.000000e+00 : f32
          %reduce_or3A_206 = arith.cmpf ogt, %reduce_or3A_204, %reduce_or3A_205 : f32
          %convert_element_type3A_207 = arith.extui %reduce_or3A_206 : i1 to i32
          %cond3A_208 = arith.constant 0 : i32
          %cond3A_209 = arith.cmpi ne, %convert_element_type3A_207, %cond3A_208 : i32
          %cond3A_210:6 = scf.if %cond3A_209 -> (vector<16xf32>, vector<16xi32>, vector<16xf32>, vector<16xi32>, f32, i32) {
            %swap3A_257 = arith.index_cast %cond3A_187#5 : i32 to index
            %swap3A_258 = tpu.vector_load %arg10[%swap3A_257] masked %le3A_195 {strides = array<i32>} : memref<32xf32, #tpu.memory_space<vmem>>, vector<16xf32>, vector<16xi1>
            tpu.vector_store %arg10[%swap3A_257], %get3A_143 masked %le3A_195 {strides = array<i32>} : memref<32xf32, #tpu.memory_space<vmem>>, vector<16xf32>, vector<16xi1>
            %swap3A_259 = arith.index_cast %cond3A_187#5 : i32 to index
            %swap3A_260 = tpu.vector_load %arg11[%swap3A_259] masked %le3A_195 {strides = array<i32>} : memref<32xi32, #tpu.memory_space<vmem>>, vector<16xi32>, vector<16xi1>
            tpu.vector_store %arg11[%swap3A_259], %add3A_193 masked %le3A_195 {strides = array<i32>} : memref<32xi32, #tpu.memory_space<vmem>>, vector<16xi32>, vector<16xi1>
            %convert_element_type3A_261 = arith.extui %le3A_195 : vector<16xi1> to vector<16xi32>
            %reduce_sum3A = arith.constant true
            %reduce_sum3A_262 = vector.broadcast %reduce_sum3A : i1 to vector<16xi1>
            %reduce_sum3A_263 = tpu.scan <sum>, %convert_element_type3A_261 masked %reduce_sum3A_262 : vector<16xi32>, vector<16xi1> -> vector<16xi32>
            %reduce_sum3A_264 = vector.extract %reduce_sum3A_263[15] : i32 from vector<16xi32>
            %add3A_265 = arith.addi %cond3A_187#5, %reduce_sum3A_264 : i32
            %ge3A = arith.constant 16 : i32
            %ge3A_266 = arith.cmpi sge, %add3A_265, %ge3A : i32
            %convert_element_type3A_267 = arith.extui %ge3A_266 : i1 to i32
            %cond3A_268 = arith.constant 0 : i32
            %cond3A_269 = arith.cmpi ne, %convert_element_type3A_267, %cond3A_268 : i32
            %cond3A_270:6 = scf.if %cond3A_269 -> (vector<16xf32>, vector<16xi32>, vector<16xf32>, vector<16xi32>, f32, i32) {
              %get3A_271 = arith.constant 0 : index
              %get3A_272 = tpu.vector_load %arg10[%get3A_271] {strides = array<i32>} : memref<32xf32, #tpu.memory_space<vmem>>, vector<16xf32>,
              %get3A_273 = arith.constant 0 : index
              %get3A_274 = tpu.vector_load %arg11[%get3A_273] {strides = array<i32>} : memref<32xi32, #tpu.memory_space<vmem>>, vector<16xi32>,
              %masked_sort3A = arith.constant dense<true> : vector<16xi1>
              %masked_sort3A_275, %masked_sort3A_276, %masked_sort3A_277 = tpu.sort %get3A_272, %get3A_274 masked %masked_sort3A : (vector<16xf32>, vector<16xi32>, vector<16xi1>) -> (vector<16xi1>, vector<16xf32>, vector<16xi32>)
              %rev3A = arith.constant 15 : i32
              %rev3A_278 = vector.broadcast %rev3A : i32 to vector<16xi32>
              %rev3A_279 = tpu.iota {dimensions = array<i32: 0>} : vector<16xi32>
              %rev3A_280 = arith.subi %rev3A_278, %rev3A_279 : vector<16xi32>
              %rev3A_281 = tpu.dynamic_gather %masked_sort3A_276[%rev3A_280] in [0] : vector<16xf32>, vector<16xi32> -> vector<16xf32>
              %rev3A_282 = arith.constant 15 : i32
              %rev3A_283 = vector.broadcast %rev3A_282 : i32 to vector<16xi32>
              %rev3A_284 = tpu.iota {dimensions = array<i32: 0>} : vector<16xi32>
              %rev3A_285 = arith.subi %rev3A_283, %rev3A_284 : vector<16xi32>
              %rev3A_286 = tpu.dynamic_gather %masked_sort3A_277[%rev3A_285] in [0] : vector<16xi32>, vector<16xi32> -> vector<16xi32>
              %le3A_287 = arith.cmpf ole, %cond3A_187#2, %rev3A_281 : vector<16xf32>
              %min3A_288 = arith.minimumf %cond3A_187#2, %rev3A_281 : vector<16xf32>
              %select_n3A_289 = arith.select %le3A_287, %cond3A_187#3, %rev3A_286 : vector<16xi1>, vector<16xi32>
              %masked_sort3A_290 = arith.constant dense<true> : vector<16xi1>
              %masked_sort3A_291, %masked_sort3A_292, %masked_sort3A_293 = tpu.sort %min3A_288, %select_n3A_289 masked %masked_sort3A_290 : (vector<16xf32>, vector<16xi32>, vector<16xi1>) -> (vector<16xi1>, vector<16xf32>, vector<16xi32>)
              %rev3A_294 = arith.constant 15 : i32
              %rev3A_295 = vector.broadcast %rev3A_294 : i32 to vector<16xi32>
              %rev3A_296 = tpu.iota {dimensions = array<i32: 0>} : vector<16xi32>
              %rev3A_297 = arith.subi %rev3A_295, %rev3A_296 : vector<16xi32>
              %rev3A_298 = tpu.dynamic_gather %masked_sort3A_292[%rev3A_297] in [0] : vector<16xf32>, vector<16xi32> -> vector<16xf32>
              %rev3A_299 = arith.constant 15 : i32
              %rev3A_300 = vector.broadcast %rev3A_299 : i32 to vector<16xi32>
              %rev3A_301 = tpu.iota {dimensions = array<i32: 0>} : vector<16xi32>
              %rev3A_302 = arith.subi %rev3A_300, %rev3A_301 : vector<16xi32>
              %rev3A_303 = tpu.dynamic_gather %masked_sort3A_293[%rev3A_302] in [0] : vector<16xi32>, vector<16xi32> -> vector<16xi32>
              %le3A_304 = arith.cmpf ole, %cond3A_187#0, %rev3A_298 : vector<16xf32>
              %min3A_305 = arith.minimumf %cond3A_187#0, %rev3A_298 : vector<16xf32>
              %select_n3A_306 = arith.select %le3A_304, %cond3A_187#1, %rev3A_303 : vector<16xi1>, vector<16xi32>
              %max3A = arith.maximumf %cond3A_187#0, %rev3A_298 : vector<16xf32>
              %select_n3A_307 = arith.select %le3A_304, %rev3A_303, %cond3A_187#1 : vector<16xi1>, vector<16xi32>
              %masked_sort3A_308 = arith.constant dense<true> : vector<16xi1>
              %masked_sort3A_309, %masked_sort3A_310, %masked_sort3A_311 = tpu.sort %min3A_305, %select_n3A_306 masked %masked_sort3A_308 : (vector<16xf32>, vector<16xi32>, vector<16xi1>) -> (vector<16xi1>, vector<16xf32>, vector<16xi32>)
              %masked_sort3A_312 = arith.constant dense<true> : vector<16xi1>
              %masked_sort3A_313, %masked_sort3A_314, %masked_sort3A_315 = tpu.sort %max3A, %select_n3A_307 masked %masked_sort3A_312 : (vector<16xf32>, vector<16xi32>, vector<16xi1>) -> (vector<16xi1>, vector<16xf32>, vector<16xi32>)
              %reduce_max3A = arith.constant true
              %reduce_max3A_316 = vector.broadcast %reduce_max3A : i1 to vector<16xi1>
              %reduce_max3A_317 = tpu.scan <max>, %masked_sort3A_314 masked %reduce_max3A_316 : vector<16xf32>, vector<16xi1> -> vector<16xf32>
              %reduce_max3A_318 = vector.extract %reduce_max3A_317[15] : f32 from vector<16xf32>
              %get3A_319 = arith.constant 16 : index
              %get3A_320 = tpu.vector_load %arg10[%get3A_319] {strides = array<i32>} : memref<32xf32, #tpu.memory_space<vmem>>, vector<16xf32>,
              %get3A_321 = arith.constant 16 : index
              %get3A_322 = tpu.vector_load %arg11[%get3A_321] {strides = array<i32>} : memref<32xi32, #tpu.memory_space<vmem>>, vector<16xi32>,
              %swap3A_323 = arith.constant 0 : index
              %swap3A_324 = tpu.vector_load %arg10[%swap3A_323] {strides = array<i32>} : memref<32xf32, #tpu.memory_space<vmem>>, vector<16xf32>,
              tpu.vector_store %arg10[%swap3A_323], %get3A_320 {strides = array<i32>} : memref<32xf32, #tpu.memory_space<vmem>>, vector<16xf32>,
              %swap3A_325 = arith.constant 0 : index
              %swap3A_326 = tpu.vector_load %arg11[%swap3A_325] {strides = array<i32>} : memref<32xi32, #tpu.memory_space<vmem>>, vector<16xi32>,
              tpu.vector_store %arg11[%swap3A_325], %get3A_322 {strides = array<i32>} : memref<32xi32, #tpu.memory_space<vmem>>, vector<16xi32>,
              %sub3A_327 = arith.constant 16 : i32
              %sub3A_328 = arith.subi %add3A_265, %sub3A_327 : i32
              scf.yield %masked_sort3A_310, %masked_sort3A_311, %masked_sort3A_314, %masked_sort3A_315, %reduce_max3A_318, %sub3A_328 : vector<16xf32>, vector<16xi32>, vector<16xf32>, vector<16xi32>, f32, i32
            } else {
              scf.yield %cond3A_187#0, %cond3A_187#1, %cond3A_187#2, %cond3A_187#3, %cond3A_187#4, %add3A_265 : vector<16xf32>, vector<16xi32>, vector<16xf32>, vector<16xi32>, f32, i32
            }
            scf.yield %cond3A_270#0, %cond3A_270#1, %cond3A_270#2, %cond3A_270#3, %cond3A_270#4, %cond3A_270#5 : vector<16xf32>, vector<16xi32>, vector<16xf32>, vector<16xi32>, f32, i32
          } else {
            scf.yield %cond3A_187#0, %cond3A_187#1, %cond3A_187#2, %cond3A_187#3, %cond3A_187#4, %cond3A_187#5 : vector<16xf32>, vector<16xi32>, vector<16xf32>, vector<16xi32>, f32, i32
          }
          %add3A_211 = vector.broadcast %mul3A_133 : i32 to vector<16xi32>
          %add3A_212 = arith.addi %gather3A, %add3A_211 : vector<16xi32>
          %add3A_213 = arith.constant 32 : i32
          %add3A_214 = vector.broadcast %add3A_213 : i32 to vector<16xi32>
          %add3A_215 = arith.addi %add3A_212, %add3A_214 : vector<16xi32>
          %add3A_216 = arith.addi %add3A_215, %iota3A : vector<16xi32>
          %broadcast_in_dim3A_217 = vector.broadcast %cond3A_210#4 : f32 to vector<16xf32>
          %le3A_218 = arith.cmpf ole, %get3A_148, %broadcast_in_dim3A_217 : vector<16xf32>
          %reduce_or3A_219 = arith.constant 1.000000e+00 : f32
          %reduce_or3A_220 = arith.constant 0.000000e+00 : f32
          %reduce_or3A_221 = vector.broadcast %reduce_or3A_219 : f32 to vector<16xf32>
          %reduce_or3A_222 = vector.broadcast %reduce_or3A_220 : f32 to vector<16xf32>
          %reduce_or3A_223 = arith.select %le3A_218, %reduce_or3A_221, %reduce_or3A_222 : vector<16xi1>, vector<16xf32>
          %reduce_or3A_224 = arith.constant true
          %reduce_or3A_225 = vector.broadcast %reduce_or3A_224 : i1 to vector<16xi1>
          %reduce_or3A_226 = tpu.scan <max>, %reduce_or3A_223 masked %reduce_or3A_225 : vector<16xf32>, vector<16xi1> -> vector<16xf32>
          %reduce_or3A_227 = vector.extract %reduce_or3A_226[15] : f32 from vector<16xf32>
          %reduce_or3A_228 = arith.constant 0.000000e+00 : f32
          %reduce_or3A_229 = arith.cmpf ogt, %reduce_or3A_227, %reduce_or3A_228 : f32
          %convert_element_type3A_230 = arith.extui %reduce_or3A_229 : i1 to i32
          %cond3A_231 = arith.constant 0 : i32
          %cond3A_232 = arith.cmpi ne, %convert_element_type3A_230, %cond3A_231 : i32
          %cond3A_233:6 = scf.if %cond3A_232 -> (vector<16xf32>, vector<16xi32>, vector<16xf32>, vector<16xi32>, f32, i32) {
            %swap3A_257 = arith.index_cast %cond3A_210#5 : i32 to index
            %swap3A_258 = tpu.vector_load %arg10[%swap3A_257] masked %le3A_218 {strides = array<i32>} : memref<32xf32, #tpu.memory_space<vmem>>, vector<16xf32>, vector<16xi1>
            tpu.vector_store %arg10[%swap3A_257], %get3A_148 masked %le3A_218 {strides = array<i32>} : memref<32xf32, #tpu.memory_space<vmem>>, vector<16xf32>, vector<16xi1>
            %swap3A_259 = arith.index_cast %cond3A_210#5 : i32 to index
            %swap3A_260 = tpu.vector_load %arg11[%swap3A_259] masked %le3A_218 {strides = array<i32>} : memref<32xi32, #tpu.memory_space<vmem>>, vector<16xi32>, vector<16xi1>
            tpu.vector_store %arg11[%swap3A_259], %add3A_216 masked %le3A_218 {strides = array<i32>} : memref<32xi32, #tpu.memory_space<vmem>>, vector<16xi32>, vector<16xi1>
            %convert_element_type3A_261 = arith.extui %le3A_218 : vector<16xi1> to vector<16xi32>
            %reduce_sum3A = arith.constant true
            %reduce_sum3A_262 = vector.broadcast %reduce_sum3A : i1 to vector<16xi1>
            %reduce_sum3A_263 = tpu.scan <sum>, %convert_element_type3A_261 masked %reduce_sum3A_262 : vector<16xi32>, vector<16xi1> -> vector<16xi32>
            %reduce_sum3A_264 = vector.extract %reduce_sum3A_263[15] : i32 from vector<16xi32>
            %add3A_265 = arith.addi %cond3A_210#5, %reduce_sum3A_264 : i32
            %ge3A = arith.constant 16 : i32
            %ge3A_266 = arith.cmpi sge, %add3A_265, %ge3A : i32
            %convert_element_type3A_267 = arith.extui %ge3A_266 : i1 to i32
            %cond3A_268 = arith.constant 0 : i32
            %cond3A_269 = arith.cmpi ne, %convert_element_type3A_267, %cond3A_268 : i32
            %cond3A_270:6 = scf.if %cond3A_269 -> (vector<16xf32>, vector<16xi32>, vector<16xf32>, vector<16xi32>, f32, i32) {
              %get3A_271 = arith.constant 0 : index
              %get3A_272 = tpu.vector_load %arg10[%get3A_271] {strides = array<i32>} : memref<32xf32, #tpu.memory_space<vmem>>, vector<16xf32>,
              %get3A_273 = arith.constant 0 : index
              %get3A_274 = tpu.vector_load %arg11[%get3A_273] {strides = array<i32>} : memref<32xi32, #tpu.memory_space<vmem>>, vector<16xi32>,
              %masked_sort3A = arith.constant dense<true> : vector<16xi1>
              %masked_sort3A_275, %masked_sort3A_276, %masked_sort3A_277 = tpu.sort %get3A_272, %get3A_274 masked %masked_sort3A : (vector<16xf32>, vector<16xi32>, vector<16xi1>) -> (vector<16xi1>, vector<16xf32>, vector<16xi32>)
              %rev3A = arith.constant 15 : i32
              %rev3A_278 = vector.broadcast %rev3A : i32 to vector<16xi32>
              %rev3A_279 = tpu.iota {dimensions = array<i32: 0>} : vector<16xi32>
              %rev3A_280 = arith.subi %rev3A_278, %rev3A_279 : vector<16xi32>
              %rev3A_281 = tpu.dynamic_gather %masked_sort3A_276[%rev3A_280] in [0] : vector<16xf32>, vector<16xi32> -> vector<16xf32>
              %rev3A_282 = arith.constant 15 : i32
              %rev3A_283 = vector.broadcast %rev3A_282 : i32 to vector<16xi32>
              %rev3A_284 = tpu.iota {dimensions = array<i32: 0>} : vector<16xi32>
              %rev3A_285 = arith.subi %rev3A_283, %rev3A_284 : vector<16xi32>
              %rev3A_286 = tpu.dynamic_gather %masked_sort3A_277[%rev3A_285] in [0] : vector<16xi32>, vector<16xi32> -> vector<16xi32>
              %le3A_287 = arith.cmpf ole, %cond3A_210#2, %rev3A_281 : vector<16xf32>
              %min3A_288 = arith.minimumf %cond3A_210#2, %rev3A_281 : vector<16xf32>
              %select_n3A_289 = arith.select %le3A_287, %cond3A_210#3, %rev3A_286 : vector<16xi1>, vector<16xi32>
              %masked_sort3A_290 = arith.constant dense<true> : vector<16xi1>
              %masked_sort3A_291, %masked_sort3A_292, %masked_sort3A_293 = tpu.sort %min3A_288, %select_n3A_289 masked %masked_sort3A_290 : (vector<16xf32>, vector<16xi32>, vector<16xi1>) -> (vector<16xi1>, vector<16xf32>, vector<16xi32>)
              %rev3A_294 = arith.constant 15 : i32
              %rev3A_295 = vector.broadcast %rev3A_294 : i32 to vector<16xi32>
              %rev3A_296 = tpu.iota {dimensions = array<i32: 0>} : vector<16xi32>
              %rev3A_297 = arith.subi %rev3A_295, %rev3A_296 : vector<16xi32>
              %rev3A_298 = tpu.dynamic_gather %masked_sort3A_292[%rev3A_297] in [0] : vector<16xf32>, vector<16xi32> -> vector<16xf32>
              %rev3A_299 = arith.constant 15 : i32
              %rev3A_300 = vector.broadcast %rev3A_299 : i32 to vector<16xi32>
              %rev3A_301 = tpu.iota {dimensions = array<i32: 0>} : vector<16xi32>
              %rev3A_302 = arith.subi %rev3A_300, %rev3A_301 : vector<16xi32>
              %rev3A_303 = tpu.dynamic_gather %masked_sort3A_293[%rev3A_302] in [0] : vector<16xi32>, vector<16xi32> -> vector<16xi32>
              %le3A_304 = arith.cmpf ole, %cond3A_210#0, %rev3A_298 : vector<16xf32>
              %min3A_305 = arith.minimumf %cond3A_210#0, %rev3A_298 : vector<16xf32>
              %select_n3A_306 = arith.select %le3A_304, %cond3A_210#1, %rev3A_303 : vector<16xi1>, vector<16xi32>
              %max3A = arith.maximumf %cond3A_210#0, %rev3A_298 : vector<16xf32>
              %select_n3A_307 = arith.select %le3A_304, %rev3A_303, %cond3A_210#1 : vector<16xi1>, vector<16xi32>
              %masked_sort3A_308 = arith.constant dense<true> : vector<16xi1>
              %masked_sort3A_309, %masked_sort3A_310, %masked_sort3A_311 = tpu.sort %min3A_305, %select_n3A_306 masked %masked_sort3A_308 : (vector<16xf32>, vector<16xi32>, vector<16xi1>) -> (vector<16xi1>, vector<16xf32>, vector<16xi32>)
              %masked_sort3A_312 = arith.constant dense<true> : vector<16xi1>
              %masked_sort3A_313, %masked_sort3A_314, %masked_sort3A_315 = tpu.sort %max3A, %select_n3A_307 masked %masked_sort3A_312 : (vector<16xf32>, vector<16xi32>, vector<16xi1>) -> (vector<16xi1>, vector<16xf32>, vector<16xi32>)
              %reduce_max3A = arith.constant true
              %reduce_max3A_316 = vector.broadcast %reduce_max3A : i1 to vector<16xi1>
              %reduce_max3A_317 = tpu.scan <max>, %masked_sort3A_314 masked %reduce_max3A_316 : vector<16xf32>, vector<16xi1> -> vector<16xf32>
              %reduce_max3A_318 = vector.extract %reduce_max3A_317[15] : f32 from vector<16xf32>
              %get3A_319 = arith.constant 16 : index
              %get3A_320 = tpu.vector_load %arg10[%get3A_319] {strides = array<i32>} : memref<32xf32, #tpu.memory_space<vmem>>, vector<16xf32>,
              %get3A_321 = arith.constant 16 : index
              %get3A_322 = tpu.vector_load %arg11[%get3A_321] {strides = array<i32>} : memref<32xi32, #tpu.memory_space<vmem>>, vector<16xi32>,
              %swap3A_323 = arith.constant 0 : index
              %swap3A_324 = tpu.vector_load %arg10[%swap3A_323] {strides = array<i32>} : memref<32xf32, #tpu.memory_space<vmem>>, vector<16xf32>,
              tpu.vector_store %arg10[%swap3A_323], %get3A_320 {strides = array<i32>} : memref<32xf32, #tpu.memory_space<vmem>>, vector<16xf32>,
              %swap3A_325 = arith.constant 0 : index
              %swap3A_326 = tpu.vector_load %arg11[%swap3A_325] {strides = array<i32>} : memref<32xi32, #tpu.memory_space<vmem>>, vector<16xi32>,
              tpu.vector_store %arg11[%swap3A_325], %get3A_322 {strides = array<i32>} : memref<32xi32, #tpu.memory_space<vmem>>, vector<16xi32>,
              %sub3A_327 = arith.constant 16 : i32
              %sub3A_328 = arith.subi %add3A_265, %sub3A_327 : i32
              scf.yield %masked_sort3A_310, %masked_sort3A_311, %masked_sort3A_314, %masked_sort3A_315, %reduce_max3A_318, %sub3A_328 : vector<16xf32>, vector<16xi32>, vector<16xf32>, vector<16xi32>, f32, i32
            } else {
              scf.yield %cond3A_210#0, %cond3A_210#1, %cond3A_210#2, %cond3A_210#3, %cond3A_210#4, %add3A_265 : vector<16xf32>, vector<16xi32>, vector<16xf32>, vector<16xi32>, f32, i32
            }
            scf.yield %cond3A_270#0, %cond3A_270#1, %cond3A_270#2, %cond3A_270#3, %cond3A_270#4, %cond3A_270#5 : vector<16xf32>, vector<16xi32>, vector<16xf32>, vector<16xi32>, f32, i32
          } else {
            scf.yield %cond3A_210#0, %cond3A_210#1, %cond3A_210#2, %cond3A_210#3, %cond3A_210#4, %cond3A_210#5 : vector<16xf32>, vector<16xi32>, vector<16xf32>, vector<16xi32>, f32, i32
          }
          %add3A_234 = vector.broadcast %mul3A_133 : i32 to vector<16xi32>
          %add3A_235 = arith.addi %gather3A, %add3A_234 : vector<16xi32>
          %add3A_236 = arith.constant 48 : i32
          %add3A_237 = vector.broadcast %add3A_236 : i32 to vector<16xi32>
          %add3A_238 = arith.addi %add3A_235, %add3A_237 : vector<16xi32>
          %add3A_239 = arith.addi %add3A_238, %iota3A : vector<16xi32>
          %broadcast_in_dim3A_240 = vector.broadcast %cond3A_233#4 : f32 to vector<16xf32>
          %le3A_241 = arith.cmpf ole, %get3A_153, %broadcast_in_dim3A_240 : vector<16xf32>
          %reduce_or3A_242 = arith.constant 1.000000e+00 : f32
          %reduce_or3A_243 = arith.constant 0.000000e+00 : f32
          %reduce_or3A_244 = vector.broadcast %reduce_or3A_242 : f32 to vector<16xf32>
          %reduce_or3A_245 = vector.broadcast %reduce_or3A_243 : f32 to vector<16xf32>
          %reduce_or3A_246 = arith.select %le3A_241, %reduce_or3A_244, %reduce_or3A_245 : vector<16xi1>, vector<16xf32>
          %reduce_or3A_247 = arith.constant true
          %reduce_or3A_248 = vector.broadcast %reduce_or3A_247 : i1 to vector<16xi1>
          %reduce_or3A_249 = tpu.scan <max>, %reduce_or3A_246 masked %reduce_or3A_248 : vector<16xf32>, vector<16xi1> -> vector<16xf32>
          %reduce_or3A_250 = vector.extract %reduce_or3A_249[15] : f32 from vector<16xf32>
          %reduce_or3A_251 = arith.constant 0.000000e+00 : f32
          %reduce_or3A_252 = arith.cmpf ogt, %reduce_or3A_250, %reduce_or3A_251 : f32
          %convert_element_type3A_253 = arith.extui %reduce_or3A_252 : i1 to i32
          %cond3A_254 = arith.constant 0 : i32
          %cond3A_255 = arith.cmpi ne, %convert_element_type3A_253, %cond3A_254 : i32
          %cond3A_256:6 = scf.if %cond3A_255 -> (vector<16xf32>, vector<16xi32>, vector<16xf32>, vector<16xi32>, f32, i32) {
            %swap3A_257 = arith.index_cast %cond3A_233#5 : i32 to index
            %swap3A_258 = tpu.vector_load %arg10[%swap3A_257] masked %le3A_241 {strides = array<i32>} : memref<32xf32, #tpu.memory_space<vmem>>, vector<16xf32>, vector<16xi1>
            tpu.vector_store %arg10[%swap3A_257], %get3A_153 masked %le3A_241 {strides = array<i32>} : memref<32xf32, #tpu.memory_space<vmem>>, vector<16xf32>, vector<16xi1>
            %swap3A_259 = arith.index_cast %cond3A_233#5 : i32 to index
            %swap3A_260 = tpu.vector_load %arg11[%swap3A_259] masked %le3A_241 {strides = array<i32>} : memref<32xi32, #tpu.memory_space<vmem>>, vector<16xi32>, vector<16xi1>
            tpu.vector_store %arg11[%swap3A_259], %add3A_239 masked %le3A_241 {strides = array<i32>} : memref<32xi32, #tpu.memory_space<vmem>>, vector<16xi32>, vector<16xi1>
            %convert_element_type3A_261 = arith.extui %le3A_241 : vector<16xi1> to vector<16xi32>
            %reduce_sum3A = arith.constant true
            %reduce_sum3A_262 = vector.broadcast %reduce_sum3A : i1 to vector<16xi1>
            %reduce_sum3A_263 = tpu.scan <sum>, %convert_element_type3A_261 masked %reduce_sum3A_262 : vector<16xi32>, vector<16xi1> -> vector<16xi32>
            %reduce_sum3A_264 = vector.extract %reduce_sum3A_263[15] : i32 from vector<16xi32>
            %add3A_265 = arith.addi %cond3A_233#5, %reduce_sum3A_264 : i32
            %ge3A = arith.constant 16 : i32
            %ge3A_266 = arith.cmpi sge, %add3A_265, %ge3A : i32
            %convert_element_type3A_267 = arith.extui %ge3A_266 : i1 to i32
            %cond3A_268 = arith.constant 0 : i32
            %cond3A_269 = arith.cmpi ne, %convert_element_type3A_267, %cond3A_268 : i32
            %cond3A_270:6 = scf.if %cond3A_269 -> (vector<16xf32>, vector<16xi32>, vector<16xf32>, vector<16xi32>, f32, i32) {
              %get3A_271 = arith.constant 0 : index
              %get3A_272 = tpu.vector_load %arg10[%get3A_271] {strides = array<i32>} : memref<32xf32, #tpu.memory_space<vmem>>, vector<16xf32>,
              %get3A_273 = arith.constant 0 : index
              %get3A_274 = tpu.vector_load %arg11[%get3A_273] {strides = array<i32>} : memref<32xi32, #tpu.memory_space<vmem>>, vector<16xi32>,
              %masked_sort3A = arith.constant dense<true> : vector<16xi1>
              %masked_sort3A_275, %masked_sort3A_276, %masked_sort3A_277 = tpu.sort %get3A_272, %get3A_274 masked %masked_sort3A : (vector<16xf32>, vector<16xi32>, vector<16xi1>) -> (vector<16xi1>, vector<16xf32>, vector<16xi32>)
              %rev3A = arith.constant 15 : i32
              %rev3A_278 = vector.broadcast %rev3A : i32 to vector<16xi32>
              %rev3A_279 = tpu.iota {dimensions = array<i32: 0>} : vector<16xi32>
              %rev3A_280 = arith.subi %rev3A_278, %rev3A_279 : vector<16xi32>
              %rev3A_281 = tpu.dynamic_gather %masked_sort3A_276[%rev3A_280] in [0] : vector<16xf32>, vector<16xi32> -> vector<16xf32>
              %rev3A_282 = arith.constant 15 : i32
              %rev3A_283 = vector.broadcast %rev3A_282 : i32 to vector<16xi32>
              %rev3A_284 = tpu.iota {dimensions = array<i32: 0>} : vector<16xi32>
              %rev3A_285 = arith.subi %rev3A_283, %rev3A_284 : vector<16xi32>
              %rev3A_286 = tpu.dynamic_gather %masked_sort3A_277[%rev3A_285] in [0] : vector<16xi32>, vector<16xi32> -> vector<16xi32>
              %le3A_287 = arith.cmpf ole, %cond3A_233#2, %rev3A_281 : vector<16xf32>
              %min3A_288 = arith.minimumf %cond3A_233#2, %rev3A_281 : vector<16xf32>
              %select_n3A_289 = arith.select %le3A_287, %cond3A_233#3, %rev3A_286 : vector<16xi1>, vector<16xi32>
              %masked_sort3A_290 = arith.constant dense<true> : vector<16xi1>
              %masked_sort3A_291, %masked_sort3A_292, %masked_sort3A_293 = tpu.sort %min3A_288, %select_n3A_289 masked %masked_sort3A_290 : (vector<16xf32>, vector<16xi32>, vector<16xi1>) -> (vector<16xi1>, vector<16xf32>, vector<16xi32>)
              %rev3A_294 = arith.constant 15 : i32
              %rev3A_295 = vector.broadcast %rev3A_294 : i32 to vector<16xi32>
              %rev3A_296 = tpu.iota {dimensions = array<i32: 0>} : vector<16xi32>
              %rev3A_297 = arith.subi %rev3A_295, %rev3A_296 : vector<16xi32>
              %rev3A_298 = tpu.dynamic_gather %masked_sort3A_292[%rev3A_297] in [0] : vector<16xf32>, vector<16xi32> -> vector<16xf32>
              %rev3A_299 = arith.constant 15 : i32
              %rev3A_300 = vector.broadcast %rev3A_299 : i32 to vector<16xi32>
              %rev3A_301 = tpu.iota {dimensions = array<i32: 0>} : vector<16xi32>
              %rev3A_302 = arith.subi %rev3A_300, %rev3A_301 : vector<16xi32>
              %rev3A_303 = tpu.dynamic_gather %masked_sort3A_293[%rev3A_302] in [0] : vector<16xi32>, vector<16xi32> -> vector<16xi32>
              %le3A_304 = arith.cmpf ole, %cond3A_233#0, %rev3A_298 : vector<16xf32>
              %min3A_305 = arith.minimumf %cond3A_233#0, %rev3A_298 : vector<16xf32>
              %select_n3A_306 = arith.select %le3A_304, %cond3A_233#1, %rev3A_303 : vector<16xi1>, vector<16xi32>
              %max3A = arith.maximumf %cond3A_233#0, %rev3A_298 : vector<16xf32>
              %select_n3A_307 = arith.select %le3A_304, %rev3A_303, %cond3A_233#1 : vector<16xi1>, vector<16xi32>
              %masked_sort3A_308 = arith.constant dense<true> : vector<16xi1>
              %masked_sort3A_309, %masked_sort3A_310, %masked_sort3A_311 = tpu.sort %min3A_305, %select_n3A_306 masked %masked_sort3A_308 : (vector<16xf32>, vector<16xi32>, vector<16xi1>) -> (vector<16xi1>, vector<16xf32>, vector<16xi32>)
              %masked_sort3A_312 = arith.constant dense<true> : vector<16xi1>
              %masked_sort3A_313, %masked_sort3A_314, %masked_sort3A_315 = tpu.sort %max3A, %select_n3A_307 masked %masked_sort3A_312 : (vector<16xf32>, vector<16xi32>, vector<16xi1>) -> (vector<16xi1>, vector<16xf32>, vector<16xi32>)
              %reduce_max3A = arith.constant true
              %reduce_max3A_316 = vector.broadcast %reduce_max3A : i1 to vector<16xi1>
              %reduce_max3A_317 = tpu.scan <max>, %masked_sort3A_314 masked %reduce_max3A_316 : vector<16xf32>, vector<16xi1> -> vector<16xf32>
              %reduce_max3A_318 = vector.extract %reduce_max3A_317[15] : f32 from vector<16xf32>
              %get3A_319 = arith.constant 16 : index
              %get3A_320 = tpu.vector_load %arg10[%get3A_319] {strides = array<i32>} : memref<32xf32, #tpu.memory_space<vmem>>, vector<16xf32>,
              %get3A_321 = arith.constant 16 : index
              %get3A_322 = tpu.vector_load %arg11[%get3A_321] {strides = array<i32>} : memref<32xi32, #tpu.memory_space<vmem>>, vector<16xi32>,
              %swap3A_323 = arith.constant 0 : index
              %swap3A_324 = tpu.vector_load %arg10[%swap3A_323] {strides = array<i32>} : memref<32xf32, #tpu.memory_space<vmem>>, vector<16xf32>,
              tpu.vector_store %arg10[%swap3A_323], %get3A_320 {strides = array<i32>} : memref<32xf32, #tpu.memory_space<vmem>>, vector<16xf32>,
              %swap3A_325 = arith.constant 0 : index
              %swap3A_326 = tpu.vector_load %arg11[%swap3A_325] {strides = array<i32>} : memref<32xi32, #tpu.memory_space<vmem>>, vector<16xi32>,
              tpu.vector_store %arg11[%swap3A_325], %get3A_322 {strides = array<i32>} : memref<32xi32, #tpu.memory_space<vmem>>, vector<16xi32>,
              %sub3A_327 = arith.constant 16 : i32
              %sub3A_328 = arith.subi %add3A_265, %sub3A_327 : i32
              scf.yield %masked_sort3A_310, %masked_sort3A_311, %masked_sort3A_314, %masked_sort3A_315, %reduce_max3A_318, %sub3A_328 : vector<16xf32>, vector<16xi32>, vector<16xf32>, vector<16xi32>, f32, i32
            } else {
              scf.yield %cond3A_233#0, %cond3A_233#1, %cond3A_233#2, %cond3A_233#3, %cond3A_233#4, %add3A_265 : vector<16xf32>, vector<16xi32>, vector<16xf32>, vector<16xi32>, f32, i32
            }
            scf.yield %cond3A_270#0, %cond3A_270#1, %cond3A_270#2, %cond3A_270#3, %cond3A_270#4, %cond3A_270#5 : vector<16xf32>, vector<16xi32>, vector<16xf32>, vector<16xi32>, f32, i32
          } else {
            scf.yield %cond3A_233#0, %cond3A_233#1, %cond3A_233#2, %cond3A_233#3, %cond3A_233#4, %cond3A_233#5 : vector<16xf32>, vector<16xi32>, vector<16xf32>, vector<16xi32>, f32, i32
          }
          scf.yield %cond3A_256#0, %cond3A_256#1, %cond3A_256#2, %cond3A_256#3, %cond3A_256#4, %cond3A_256#5 : vector<16xf32>, vector<16xi32>, vector<16xf32>, vector<16xi32>, f32, i32
        } else {
          scf.yield %scan3A_96, %scan3A_97, %scan3A_98, %scan3A_99, %scan3A_100, %scan3A_101 : vector<16xf32>, vector<16xi32>, vector<16xf32>, vector<16xi32>, f32, i32
        }
        scf.yield %cond3A_163#0, %cond3A_163#1, %cond3A_163#2, %cond3A_163#3, %cond3A_163#4, %cond3A_163#5 : vector<16xf32>, vector<16xi32>, vector<16xf32>, vector<16xi32>, f32, i32
      }
      %scan3A_75 = arith.constant 64 : i32
      %gt3A_76 = arith.constant 0 : i32
      %gt3A_77 = arith.cmpi sgt, %scan3A_74#5, %gt3A_76 : i32
      %convert_element_type3A_78 = arith.extui %gt3A_77 : i1 to i32
      %cond3A_79 = arith.constant 0 : i32
      %cond3A_80 = arith.cmpi ne, %convert_element_type3A_78, %cond3A_79 : i32
      %cond3A_81:6 = scf.if %cond3A_80 -> (vector<16xf32>, vector<16xi32>, vector<16xf32>, vector<16xi32>, f32, i32) {
        %broadcast_in_dim3A_95 = vector.broadcast %scan3A_74#5 : i32 to vector<16xi32>
        %lt3A = arith.cmpi slt, %iota3A, %broadcast_in_dim3A_95 : vector<16xi32>
        %get3A_96 = arith.constant 0 : index
        %get3A_97 = tpu.vector_load %arg10[%get3A_96] {strides = array<i32>} : memref<32xf32, #tpu.memory_space<vmem>>, vector<16xf32>,
        %select_n3A = arith.select %lt3A, %get3A_97, %broadcast_in_dim3A_3 : vector<16xi1>, vector<16xf32>
        %get3A_98 = arith.constant 0 : index
        %get3A_99 = tpu.vector_load %arg11[%get3A_98] {strides = array<i32>} : memref<32xi32, #tpu.memory_space<vmem>>, vector<16xi32>,
        %masked_sort3A = arith.constant dense<true> : vector<16xi1>
        %masked_sort3A_100, %masked_sort3A_101, %masked_sort3A_102 = tpu.sort %select_n3A, %get3A_99 masked %masked_sort3A : (vector<16xf32>, vector<16xi32>, vector<16xi1>) -> (vector<16xi1>, vector<16xf32>, vector<16xi32>)
        %rev3A = arith.constant 15 : i32
        %rev3A_103 = vector.broadcast %rev3A : i32 to vector<16xi32>
        %rev3A_104 = tpu.iota {dimensions = array<i32: 0>} : vector<16xi32>
        %rev3A_105 = arith.subi %rev3A_103, %rev3A_104 : vector<16xi32>
        %rev3A_106 = tpu.dynamic_gather %masked_sort3A_101[%rev3A_105] in [0] : vector<16xf32>, vector<16xi32> -> vector<16xf32>
        %rev3A_107 = arith.constant 15 : i32
        %rev3A_108 = vector.broadcast %rev3A_107 : i32 to vector<16xi32>
        %rev3A_109 = tpu.iota {dimensions = array<i32: 0>} : vector<16xi32>
        %rev3A_110 = arith.subi %rev3A_108, %rev3A_109 : vector<16xi32>
        %rev3A_111 = tpu.dynamic_gather %masked_sort3A_102[%rev3A_110] in [0] : vector<16xi32>, vector<16xi32> -> vector<16xi32>
        %le3A_112 = arith.cmpf ole, %scan3A_74#2, %rev3A_106 : vector<16xf32>
        %min3A = arith.minimumf %scan3A_74#2, %rev3A_106 : vector<16xf32>
        %select_n3A_113 = arith.select %le3A_112, %scan3A_74#3, %rev3A_111 : vector<16xi1>, vector<16xi32>
        %masked_sort3A_114 = arith.constant dense<true> : vector<16xi1>
        %masked_sort3A_115, %masked_sort3A_116, %masked_sort3A_117 = tpu.sort %min3A, %select_n3A_113 masked %masked_sort3A_114 : (vector<16xf32>, vector<16xi32>, vector<16xi1>) -> (vector<16xi1>, vector<16xf32>, vector<16xi32>)
        %rev3A_118 = arith.constant 15 : i32
        %rev3A_119 = vector.broadcast %rev3A_118 : i32 to vector<16xi32>
        %rev3A_120 = tpu.iota {dimensions = array<i32: 0>} : vector<16xi32>
        %rev3A_121 = arith.subi %rev3A_119, %rev3A_120 : vector<16xi32>
        %rev3A_122 = tpu.dynamic_gather %masked_sort3A_116[%rev3A_121] in [0] : vector<16xf32>, vector<16xi32> -> vector<16xf32>
        %rev3A_123 = arith.constant 15 : i32
        %rev3A_124 = vector.broadcast %rev3A_123 : i32 to vector<16xi32>
        %rev3A_125 = tpu.iota {dimensions = array<i32: 0>} : vector<16xi32>
        %rev3A_126 = arith.subi %rev3A_124, %rev3A_125 : vector<16xi32>
        %rev3A_127 = tpu.dynamic_gather %masked_sort3A_117[%rev3A_126] in [0] : vector<16xi32>, vector<16xi32> -> vector<16xi32>
        %le3A_128 = arith.cmpf ole, %scan3A_74#0, %rev3A_122 : vector<16xf32>
        %min3A_129 = arith.minimumf %scan3A_74#0, %rev3A_122 : vector<16xf32>
        %select_n3A_130 = arith.select %le3A_128, %scan3A_74#1, %rev3A_127 : vector<16xi1>, vector<16xi32>
        %max3A = arith.maximumf %scan3A_74#0, %rev3A_122 : vector<16xf32>
        %select_n3A_131 = arith.select %le3A_128, %rev3A_127, %scan3A_74#1 : vector<16xi1>, vector<16xi32>
        %masked_sort3A_132 = arith.constant dense<true> : vector<16xi1>
        %masked_sort3A_133, %masked_sort3A_134, %masked_sort3A_135 = tpu.sort %min3A_129, %select_n3A_130 masked %masked_sort3A_132 : (vector<16xf32>, vector<16xi32>, vector<16xi1>) -> (vector<16xi1>, vector<16xf32>, vector<16xi32>)
        %masked_sort3A_136 = arith.constant dense<true> : vector<16xi1>
        %masked_sort3A_137, %masked_sort3A_138, %masked_sort3A_139 = tpu.sort %max3A, %select_n3A_131 masked %masked_sort3A_136 : (vector<16xf32>, vector<16xi32>, vector<16xi1>) -> (vector<16xi1>, vector<16xf32>, vector<16xi32>)
        %reduce_max3A = arith.constant true
        %reduce_max3A_140 = vector.broadcast %reduce_max3A : i1 to vector<16xi1>
        %reduce_max3A_141 = tpu.scan <max>, %masked_sort3A_138 masked %reduce_max3A_140 : vector<16xf32>, vector<16xi1> -> vector<16xf32>
        %reduce_max3A_142 = vector.extract %reduce_max3A_141[15] : f32 from vector<16xf32>
        %cond3A_143 = arith.constant 0 : i32
        scf.yield %masked_sort3A_134, %masked_sort3A_135, %masked_sort3A_138, %masked_sort3A_139, %reduce_max3A_142, %cond3A_143 : vector<16xf32>, vector<16xi32>, vector<16xf32>, vector<16xi32>, f32, i32
      } else {
        scf.yield %scan3A_74#0, %scan3A_74#1, %scan3A_74#2, %scan3A_74#3, %scan3A_74#4, %scan3A_74#5 : vector<16xf32>, vector<16xi32>, vector<16xf32>, vector<16xi32>, f32, i32
      }
      %swap3A_82 = arith.index_cast %scan3A_12 : i32 to index
      %swap3A_83 = arith.constant 0 : index
      %swap3A_84 = tpu.vector_load %arg12[%swap3A_82, %swap3A_83] {strides = array<i32>} : memref<32x32xf32, #tpu.memory_space<vmem>>, vector<16xf32>,
      tpu.vector_store %arg12[%swap3A_82, %swap3A_83], %cond3A_81#0 {strides = array<i32>} : memref<32x32xf32, #tpu.memory_space<vmem>>, vector<16xf32>,
      %swap3A_85 = arith.index_cast %scan3A_12 : i32 to index
      %swap3A_86 = arith.constant 16 : index
      %swap3A_87 = tpu.vector_load %arg12[%swap3A_85, %swap3A_86] {strides = array<i32>} : memref<32x32xf32, #tpu.memory_space<vmem>>, vector<16xf32>,
      tpu.vector_store %arg12[%swap3A_85, %swap3A_86], %cond3A_81#2 {strides = array<i32>} : memref<32x32xf32, #tpu.memory_space<vmem>>, vector<16xf32>,
      %swap3A_88 = arith.index_cast %scan3A_12 : i32 to index
      %swap3A_89 = arith.constant 0 : index
      %swap3A_90 = tpu.vector_load %arg13[%swap3A_88, %swap3A_89] {strides = array<i32>} : memref<32x32xi32, #tpu.memory_space<vmem>>, vector<16xi32>,
      tpu.vector_store %arg13[%swap3A_88, %swap3A_89], %cond3A_81#1 {strides = array<i32>} : memref<32x32xi32, #tpu.memory_space<vmem>>, vector<16xi32>,
      %swap3A_91 = arith.index_cast %scan3A_12 : i32 to index
      %swap3A_92 = arith.constant 16 : index
      %swap3A_93 = tpu.vector_load %arg13[%swap3A_91, %swap3A_92] {strides = array<i32>} : memref<32x32xi32, #tpu.memory_space<vmem>>, vector<16xi32>,
      tpu.vector_store %arg13[%swap3A_91, %swap3A_92], %cond3A_81#3 {strides = array<i32>} : memref<32x32xi32, #tpu.memory_space<vmem>>, vector<16xi32>,
      %scan3A_94 = arith.constant 0 : i32
      scf.yield %scan3A_94 : i32
    }
    %scan3A_11 = arith.constant 32 : i32
    "tpu.region"() ({
      %run_scoped3A = tpu.sem_alloc : memref<!tpu.dma_semaphore, #tpu.memory_space<semaphore_mem>>
      %dma_start3A = arith.constant 0 : i32
      %dma_start3A_12 = tpu.memref_slice %arg4[%mul3A_2, %dma_start3A] : memref<1024x32xf32, #tpu.memory_space<hbm>> -> memref<32x32xf32, #tpu.memory_space<hbm>>
      %dma_start3A_13 = arith.constant 0 : i32
      %dma_start3A_14 = tpu.memref_slice %arg4[%mul3A_2, %dma_start3A_13] : memref<1024x32xf32, #tpu.memory_space<hbm>> -> memref<32x32xf32, #tpu.memory_space<hbm>>
      tpu.enqueue_dma source(%arg12 : memref<32x32xf32, #tpu.memory_space<vmem>>) target(%dma_start3A_14 : memref<32x32xf32, #tpu.memory_space<hbm>>) target_semaphore(%run_scoped3A : memref<!tpu.dma_semaphore, #tpu.memory_space<semaphore_mem>>)
      %dma_wait3A = arith.constant 0 : i32
      %dma_wait3A_15 = tpu.memref_slice %arg4[%mul3A_2, %dma_wait3A] : memref<1024x32xf32, #tpu.memory_space<hbm>> -> memref<32x32xf32, #tpu.memory_space<hbm>>
      %dma_wait3A_16 = arith.constant 0 : i32
      %dma_wait3A_17 = tpu.memref_slice %arg4[%mul3A_2, %dma_wait3A_16] : memref<1024x32xf32, #tpu.memory_space<hbm>> -> memref<32x32xf32, #tpu.memory_space<hbm>>
      tpu.wait_dma2 semaphore(%run_scoped3A : memref<!tpu.dma_semaphore, #tpu.memory_space<semaphore_mem>>) src(%arg12 : memref<32x32xf32, #tpu.memory_space<vmem>>) dst(%dma_wait3A_17 : memref<32x32xf32, #tpu.memory_space<hbm>>)
      tpu.yield
    }) : () -> ()
    "tpu.region"() ({
      %run_scoped3A = tpu.sem_alloc : memref<!tpu.dma_semaphore, #tpu.memory_space<semaphore_mem>>
      %dma_start3A = arith.constant 0 : i32
      %dma_start3A_12 = tpu.memref_slice %arg5[%mul3A_2, %dma_start3A] : memref<1024x32xi32, #tpu.memory_space<hbm>> -> memref<32x32xi32, #tpu.memory_space<hbm>>
      %dma_start3A_13 = arith.constant 0 : i32
      %dma_start3A_14 = tpu.memref_slice %arg5[%mul3A_2, %dma_start3A_13] : memref<1024x32xi32, #tpu.memory_space<hbm>> -> memref<32x32xi32, #tpu.memory_space<hbm>>
      tpu.enqueue_dma source(%arg13 : memref<32x32xi32, #tpu.memory_space<vmem>>) target(%dma_start3A_14 : memref<32x32xi32, #tpu.memory_space<hbm>>) target_semaphore(%run_scoped3A : memref<!tpu.dma_semaphore, #tpu.memory_space<semaphore_mem>>)
      %dma_wait3A = arith.constant 0 : i32
      %dma_wait3A_15 = tpu.memref_slice %arg5[%mul3A_2, %dma_wait3A] : memref<1024x32xi32, #tpu.memory_space<hbm>> -> memref<32x32xi32, #tpu.memory_space<hbm>>
      %dma_wait3A_16 = arith.constant 0 : i32
      %dma_wait3A_17 = tpu.memref_slice %arg5[%mul3A_2, %dma_wait3A_16] : memref<1024x32xi32, #tpu.memory_space<hbm>> -> memref<32x32xi32, #tpu.memory_space<hbm>>
      tpu.wait_dma2 semaphore(%run_scoped3A : memref<!tpu.dma_semaphore, #tpu.memory_space<semaphore_mem>>) src(%arg13 : memref<32x32xi32, #tpu.memory_space<vmem>>) dst(%dma_wait3A_17 : memref<32x32xi32, #tpu.memory_space<hbm>>)
      tpu.yield
    }) : () -> ()
    return
  }
}

module attributes {stable_mosaic.version = 14 : i64} {
  func.func @_dist_tile_kernel(%arg0: i32, %arg1: memref<1024x64xf32, #tpu.memory_space<vmem>>, %arg2: memref<1x2048xf32, #tpu.memory_space<vmem>>, %arg3: memref<2048x64xf32, #tpu.memory_space<vmem>>, %arg4: memref<1024x16x128xf32, #tpu.memory_space<vmem>>, %arg5: memref<1x1024x16xf32, #tpu.memory_space<vmem>>) attributes {dimension_semantics = [#tpu.dimension_semantics<arbitrary>], iteration_bounds = array<i64: 49>, scalar_prefetch = 0 : i64, scratch_operands = 0 : i64, tpu.core_type = #tpu.core_type<tc>, window_params = [{pipeline_mode = #tpu.pipeline_mode<synchronous>, transform_indices = @transform_0, window_bounds = array<i64: 1024, 64>}, {transform_indices = @transform_1, window_bounds = array<i64: 1, 2048>}, {transform_indices = @transform_2, window_bounds = array<i64: 2048, 64>}, {transform_indices = @transform_3, window_bounds = array<i64: 1024, 16, 128>}, {transform_indices = @transform_4, window_bounds = array<i64: 1, 1024, 16>}]} {
    %get3A = arith.constant 0 : index
    %get3A_0 = arith.constant 0 : index
    %get3A_1 = vector.load %arg1[%get3A, %get3A_0] : memref<1024x64xf32, #tpu.memory_space<vmem>>, vector<1024x64xf32>
    %get3A_2 = arith.constant 0 : index
    %get3A_3 = arith.constant 0 : index
    %get3A_4 = vector.load %arg3[%get3A_2, %get3A_3] : memref<2048x64xf32, #tpu.memory_space<vmem>>, vector<2048x64xf32>
    %mul3A = arith.mulf %get3A_1, %get3A_1 : vector<1024x64xf32>
    %reduce_sum3A = arith.constant dense<0.000000e+00> : vector<1024xf32>
    %reduce_sum3A_5 = vector.multi_reduction <add>, %mul3A, %reduce_sum3A [1] : vector<1024x64xf32> to vector<1024xf32>
    %broadcast_in_dim3A = vector.shape_cast %reduce_sum3A_5 : vector<1024xf32> to vector<1024x1xf32>
    %dot_general3A = arith.constant dense<0.000000e+00> : vector<1024x2048xf32>
    %dot_general3A_6 = tpu.matmul %get3A_1, %get3A_4, %dot_general3A {dimension_numbers = #tpu.dot_dimension_numbers<[1], [1], [0], [0], [0, 0, 1, 0], [], []>, transpose_lhs_hint = false} : vector<1024x64xf32>, vector<2048x64xf32>, vector<1024x2048xf32> -> vector<1024x2048xf32>
    %get3A_7 = arith.constant 0 : index
    %get3A_8 = arith.constant 0 : index
    %get3A_9 = vector.load %arg2[%get3A_7, %get3A_8] : memref<1x2048xf32, #tpu.memory_space<vmem>>, vector<1x2048xf32>
    %add3A = vector.broadcast %broadcast_in_dim3A : vector<1024x1xf32> to vector<1024x2048xf32>
    %add3A_10 = vector.broadcast %get3A_9 : vector<1x2048xf32> to vector<1024x2048xf32>
    %add3A_11 = arith.addf %add3A, %add3A_10 : vector<1024x2048xf32>
    %mul3A_12 = arith.constant 2.000000e+00 : f32
    %mul3A_13 = vector.broadcast %mul3A_12 : f32 to vector<1024x2048xf32>
    %mul3A_14 = arith.mulf %mul3A_13, %dot_general3A_6 : vector<1024x2048xf32>
    %sub3A = arith.subf %add3A_11, %mul3A_14 : vector<1024x2048xf32>
    %reshape3A = vector.shape_cast %sub3A : vector<1024x2048xf32> to vector<1024x16x128xf32>
    %swap3A = arith.constant 0 : index
    %swap3A_15 = arith.constant 0 : index
    %swap3A_16 = arith.constant 0 : index
    %swap3A_17 = vector.load %arg4[%swap3A, %swap3A_15, %swap3A_16] : memref<1024x16x128xf32, #tpu.memory_space<vmem>>, vector<1024x16x128xf32>
    tpu.vector_store %arg4[%swap3A, %swap3A_15, %swap3A_16], %reshape3A {strides = array<i32>} : memref<1024x16x128xf32, #tpu.memory_space<vmem>>, vector<1024x16x128xf32>,
    %reduce_min3A = arith.constant dense<0x7F800000> : vector<1024x16xf32>
    %reduce_min3A_18 = vector.multi_reduction <minimumf>, %reshape3A, %reduce_min3A [2] : vector<1024x16x128xf32> to vector<1024x16xf32>
    %broadcast_in_dim3A_19 = vector.shape_cast %reduce_min3A_18 : vector<1024x16xf32> to vector<1x1024x16xf32>
    %swap3A_20 = arith.constant 0 : index
    %swap3A_21 = arith.constant 0 : index
    %swap3A_22 = arith.constant 0 : index
    %swap3A_23 = vector.load %arg5[%swap3A_20, %swap3A_21, %swap3A_22] : memref<1x1024x16xf32, #tpu.memory_space<vmem>>, vector<1x1024x16xf32>
    tpu.vector_store %arg5[%swap3A_20, %swap3A_21, %swap3A_22], %broadcast_in_dim3A_19 {strides = array<i32>} : memref<1x1024x16xf32, #tpu.memory_space<vmem>>, vector<1x1024x16xf32>,
    return
  }
  func.func @transform_0(%arg0: i32) -> (i32, i32) {
    %c0_i32 = arith.constant 0 : i32
    %c0_i32_0 = arith.constant 0 : i32
    %c0_i32_1 = arith.constant 0 : i32
    return %c0_i32, %c0_i32_0 : i32, i32
  }
  func.func @transform_1(%arg0: i32) -> (i32, i32) {
    %c0_i32 = arith.constant 0 : i32
    %c0_i32_0 = arith.constant 0 : i32
    return %c0_i32, %arg0 : i32, i32
  }
  func.func @transform_2(%arg0: i32) -> (i32, i32) {
    %c0_i32 = arith.constant 0 : i32
    %c0_i32_0 = arith.constant 0 : i32
    return %arg0, %c0_i32 : i32, i32
  }
  func.func @transform_3(%arg0: i32) -> (i32, i32, i32) {
    %c0_i32 = arith.constant 0 : i32
    %c0_i32_0 = arith.constant 0 : i32
    %c0_i32_1 = arith.constant 0 : i32
    return %c0_i32, %arg0, %c0_i32_0 : i32, i32, i32
  }
  func.func @transform_4(%arg0: i32) -> (i32, i32, i32) {
    %c0_i32 = arith.constant 0 : i32
    %c0_i32_0 = arith.constant 0 : i32
    %c0_i32_1 = arith.constant 0 : i32
    return %arg0, %c0_i32, %c0_i32_0 : i32, i32, i32
  }
}

</mosaic_0001>

<sc_bundles>
// kernel: kernel.4.cloned.1.call-start
scs
__scs_entry_jumppad:
0x0: {  	(pc) =	sbr.rel $0x88, $3  }
0x1: {  	(tag) =	ssettag $0x0;
	lr =	simm.s32 $0x1  }
0x2: {  	[smem:$0x3F9F] =	sst lr;
	_ =	strace $0xD0000000  }
0x3: {  	_ = 	snop  }
0x4: {  	_ = 	snop  }
0x5: {  	_ = 	snop  }
0x6: {  	_ = 	snop  }
0x7: {  	_ = 	snop  }
__scs_overlays_trampoline_lowered:
0x8: {  	[smem:$0x3FAE] =	sst s0  }
0x9: {  	[smem:$0x3FAF] =	sst s1  }
0xa: {  	[smem:$0x3FB0] =	sst s2  }
0xb: {  	[smem:$0x3FB1] =	sst s3  }
0xc: {  	[smem:$0x3FB2] =	sst s4  }
0xd: {  	[smem:$0x3FB3] =	sst s5  }
0xe: {  	[smem:$0x3FB4] =	sst s6  }
0xf: {  	[smem:$0x3FB5] =	sst s7  }
0x10: {  	[smem:$0x3FB6] =	sst s8  }
0x11: {  	[smem:$0x3FB7] =	sst s9;
	s0 =	simm.s32 @!p0 $0x0  }
0x12: {  	s1 =	sld [smem:$0x3F9D];
	s0 =	simm.s32 @p0 $0x1  }
0x13: {  	[smem:$0x3FB8] =	sst s0;
	s0 =	simm.s32 @!p1 $0x0  }
0x14: {  	s2 =	sld [smem:$0x3F9C];
	s0 =	simm.s32 @p1 $0x1  }
0x15: {  	[smem:$0x3FB9] =	sst s0;
	s0 =	simm.s32 @!p2 $0x0  }
0x16: {  	s3 =	sld [smem:$0x3FDB];
	s0 =	simm.s32 @p2 $0x1  }
0x17: {  	s4 =	simm.s32 $0x1BF5;
	[smem:$0x3FBB] =	sst s0  }
0x18: {  	s0 =	sld [smem:$0x3F9E];
	_ =	swait.ge [sflag:s4], $0x0  }
0x19: {  	s7 =	sld [smem:$0x3F9F]  }
0x1a: {  	s8 =	sadd.s32 $0xFFFFE003, lr  }
0x1b: {  	s9 =	sadd.s32 $0xFFFFFEF7, lr;
	s5 =	simm.s32 $0xFFFFFFFF;
	p2 =	slt.u32 s8, $0xFFFFF086  }
0x1c: {  	p1 =	slt.u32 s9, $0xF7A;
	s5 =	simm.s32 @!p2 $0x0  }
0x1d: {  	s5 =	simm.s32 @p1 $0x1;
	p0 =	seq.s32 s7, s2  }
0x1e: {  	s7 =	smul.u32 @!p0 $0xF7A, s2;
	p2 =	seq.s32 @!p0 s5, $0x0  }
0x1f: {  	s9 =	smul.u32 $0xF7A, s1;
	s8 =	simm.s32 @!p0 $0x1BF5;
	p2 =	por !p2, p0  }
0x20: {  	[sflag:s8] =	ssyncset.s32 @!p0 $0xFFFFF086;
	s6 =	sadd.s32 @!p0 s3, s7;
	s7 =	simm.s32 @!p0 $0x108  }
0x21: {  	s3 =	sadd.s32 s3, s9;
	s6 =	sadd.s32 @!p0 $0x88, s6;
	s7 =	simm.s32 @p2 $0x1082  }
0x22: {  	[simem:s7], [sflag:s8] =	dma.local @!p0 [hbm:s6], $0xF7A  }
0x23: {  	s9 =	sor.u32 $0xD0000000, s2;
	s6 =	simm.s32 $0x108;
	_ =	swait.ge @!p0 [sflag:s8], $0x0  }
0x24: {  	s3 =	sadd.s32 $0x88, s3;
	s6 =	simm.s32 @!p1 $0x1082;
	[sflag:s4] =	ssyncset.s32 $0xFFFFF086  }
0x25: {  	[simem:s6], [sflag:s4] =	dma.local [hbm:s3], $0xF7A  }
0x26: {  	[smem:$0x3F9F] =	sst s1;
	(tag) =	ssettag s2;
	_ =	strace s9  }
0x27: {  	s1 =	sld [smem:$0x3FAF]  }
0x28: {  	s2 =	sld [smem:$0x3FB0]  }
0x29: {  	s4 =	sld [smem:$0x3FB2]  }
0x2a: {  	p0 =	seq.s32 s5, $0x0;
	s5 =	sld [smem:$0x3FB3]  }
0x2b: {  	s6 =	sld [smem:$0x3FB4]  }
0x2c: {  	s7 =	sld [smem:$0x3FB5]  }
0x2d: {  	s3 =	simm.s32 $0x108;
	s8 =	sld [smem:$0x3FB6]  }
0x2e: {  	s3 =	simm.s32 @!p0 $0x1082;
	s9 =	sld [smem:$0x3FB7]  }
0x2f: {  	lr =	sadd.s32 s0, s3;
	s0 =	sld [smem:$0x3FAE]  }
0x30: {  	s3 =	sld [smem:$0x3FB1]  }
0x31: {  	[smem:$0x3FBA] =	sst s10  }
0x32: {  	s10 =	sld [smem:$0x3FB8];
	_ =	sdelay $0x3  }
0x33: {  	p0 =	seq.s32 s10, $0x1;
	s10 =	sld [smem:$0x3FBA];
	_ =	sdelay $0x3  }
0x34: {  	[smem:$0x3FBA] =	sst s10  }
0x35: {  	s10 =	sld [smem:$0x3FB9];
	_ =	sdelay $0x3  }
0x36: {  	p1 =	seq.s32 s10, $0x1;
	s10 =	sld [smem:$0x3FBA];
	_ =	sdelay $0x3  }
0x37: {  	[smem:$0x3FBA] =	sst s10  }
0x38: {  	s10 =	sld [smem:$0x3FBB]  }
0x39: {  	_ = 	snop;
	(pc) =	sbr.ind lr, $3  }
0x3a: {  	_ = 	snop  }
0x3b: {  	_ = 	snop  }
0x3c: {  	p2 =	seq.s32 s10, $0x1;
	s10 =	sld [smem:$0x3FBA]  }
0x3d: {  	_ =	shalt  }
0x3e: {  	_ =	shalt  }
0x3f: {  	_ =	shalt  }
0x40: {  	_ =	shalt  }
0x41: {  	_ =	shalt  }
0x42: {  	_ =	shalt  }
0x43: {  	_ =	shalt  }
0x44: {  	_ =	shalt  }
0x45: {  	_ =	shalt  }
0x46: {  	_ =	shalt  }
0x47: {  	_ =	shalt  }
0x48: {  	_ =	shalt  }
0x49: {  	_ =	shalt  }
0x4a: {  	_ =	shalt  }
0x4b: {  	_ =	shalt  }
0x4c: {  	_ =	shalt  }
0x4d: {  	_ =	shalt  }
0x4e: {  	_ =	shalt  }
0x4f: {  	_ =	shalt  }
0x50: {  	_ =	shalt  }
0x51: {  	_ =	shalt  }
0x52: {  	_ =	shalt  }
0x53: {  	_ =	shalt  }
0x54: {  	_ =	shalt  }
0x55: {  	_ =	shalt  }
0x56: {  	_ =	shalt  }
0x57: {  	_ =	shalt  }
0x58: {  	_ =	shalt  }
0x59: {  	_ =	shalt  }
0x5a: {  	_ =	shalt  }
0x5b: {  	_ =	shalt  }
0x5c: {  	_ =	shalt  }
0x5d: {  	_ =	shalt  }
0x5e: {  	_ =	shalt  }
0x5f: {  	_ =	shalt  }
0x60: {  	_ =	shalt  }
0x61: {  	_ =	shalt  }
0x62: {  	_ =	shalt  }
0x63: {  	_ =	shalt  }
0x64: {  	_ =	shalt  }
0x65: {  	_ =	shalt  }
0x66: {  	_ =	shalt  }
0x67: {  	_ =	shalt  }
0x68: {  	_ =	shalt  }
0x69: {  	_ =	shalt  }
0x6a: {  	_ =	shalt  }
0x6b: {  	_ =	shalt  }
0x6c: {  	_ =	shalt  }
0x6d: {  	_ =	shalt  }
0x6e: {  	_ =	shalt  }
0x6f: {  	_ =	shalt  }
0x70: {  	_ =	shalt  }
0x71: {  	_ =	shalt  }
0x72: {  	_ =	shalt  }
0x73: {  	_ =	shalt  }
0x74: {  	_ =	shalt  }
0x75: {  	_ =	shalt  }
0x76: {  	_ =	shalt  }
0x77: {  	_ =	shalt  }
0x78: {  	_ =	shalt  }
0x79: {  	_ =	shalt  }
0x7a: {  	_ =	shalt  }
0x7b: {  	_ =	shalt  }
0x7c: {  	_ =	shalt  }
0x7d: {  	_ =	shalt  }
0x7e: {  	_ =	shalt  }
0x7f: {  	_ =	shalt  }
0x80: {  	_ =	shalt  }
0x81: {  	_ =	shalt  }
0x82: {  	_ =	shalt  }
0x83: {  	_ =	shalt  }
0x84: {  	_ =	shalt  }
0x85: {  	_ =	shalt  }
0x86: {  	_ =	shalt  }
0x87: {  	_ =	shalt  }
.Lfunc_end0:
.L_simem_size_0:
called_computation_lowered:
.L_overlay_start_0:
0x88: {  	s2 =	sld [smem:$0x3FD9]  }
0x89: {  	s3 =	sld [smem:$0x3FFE];
	_ =	sdelay $0x1  }
0x8a: {  	s1 =	srdreg.scid  }
0x8b: {  	s0 =	sand.u32 $0x1, s1  }
0x8c: {  	s16 =	sshll.u32 s0, $0xA;
	s2 =	sadd.s32 s3, s2  }
0x8d: {  	s2 =	sadd.s32 s2, s16  }
0x8e: {  	[smem:$0x3FC6] =	sst s2  }
0x8f: {  	_ = 	snop  }
0x90: {  	(tm) =	ssettm $0x1  }
0x91: {  	s17 =	sld [smem:$0x3FFB];
	_ =	sdelay $0x3  }
0x92: {  	_ =	strace s17  }
0x93: {  	s2 =	sld [smem:$0x3FFC];
	_ =	sdelay $0x3  }
0x94: {  	_ =	strace s2  }
0x95: {  	s2 =	sld [smem:$0x3FFD];
	_ =	sdelay $0x3  }
0x96: {  	_ =	strace s2  }
0x97: {  	_ =	strace $0x8FFFFFFF  }
0x98: {  	s18 =	sld [smem:$0x3FDB];
	_ =	sdelay $0x1  }
0x99: {  	s19 =	simm.s32 $_scs_section_size  }
0x9a: {  	s4 =	simm.s32 $_size__tile_overlayer_lowered;
	s5 =	simm.s32 $_tile_overlayer_lowered  }
0x9b: {  	s22 =	simm.s32 $0x1BFF;
	s21 =	sshll.u32 s5, $0x1;
	s2 =	sadd.s32 s19, s18  }
0x9c: {  	s6 =	simm.s32 $0x0;
	s20 =	sshll.u32 s4, $0x1;
	s4 =	sadd.s32 s21, s2  }
0x9d: {  	[timem:s6], [sflag:s22] =	dma.local [hbm:s4], s20  }
0x9e: {  	_ =	swait.ge [sflag:s22], s20  }
0x9f: {  	s3 =	ssub.s32 $0x0, s20;
	[sflag:s22] =	ssyncset.done $0x0  }
0xa0: {  	[sflag:s22] =	ssyncadd.s32 s3;
	_ =	sdelay $0x1  }
0xa1: {  	s23 =	simm.s32 $0x1B8B  }
0xa2: {  	_ =	swait.ge [sflag:s23], $0x1  }
0xa3: {  	[sflag:s23] =	ssyncset.done $0x0  }
0xa4: {  	s25 =	simm.s32 $0x1B8E;
	s24 =	sld [smem:$0x3FFE];
	[sflag:s23] =	ssyncadd.s32 $0xFFFFFFFF  }
0xa5: {  	s26 =	simm.s32 $execute0_lowered;
	[smem:$0x3FD2] =	sst s25  }
0xa6: {  	s4 =	sshll.u32 s26, $0x1;
	_ =	strace $0x80000046;
	[dreg:$0x1] =	wrdreg $0xFFFFFFFF  }
0xa7: {  	s28 =	simm.s32 $_size_execute0_lowered;
	s2 =	sadd.s32 s2, s4;
	[dreg:$0x0] =	wrdreg $0x0  }
0xa8: {  	s4 =	sshll.u32 s28, $0x1;
	[dreg:$0x2] =	wrdreg s2  }
0xa9: {  	[dreg:$0x3] =	wrdreg s4  }
0xaa: {  	[dreg:$0x4] =	wrdreg $0xC0  }
0xab: {  	_ =	task [dreg:s6], $0x5FFFF  }
0xac: {  	[dreg:$0x1] =	wrdreg $0xFFFFFFFF  }
0xad: {  	[dreg:$0x0] =	wrdreg $0x60  }
0xae: {  	[dreg:$0x2] =	wrdreg s24  }
0xaf: {  	[dreg:$0x3] =	wrdreg $0x9  }
0xb0: {  	_ =	task.clear_ibuf [dreg:s6], $0x4FFFF;
	_ =	strace $0x90000046  }
0xb1: {  	s29 =	simm.s32 $0x9;
	_ =	strace $0x80000048  }
0xb2: {  	_ =	swait.ge [sflag:s29], $0x1  }
0xb3: {  	[sflag:s29] =	ssyncadd.s32 $0xFFFFFFFF  }
0xb4: {  	_ =	strace $0x90000048  }
0xb5: {  	_ =	sfence  }
0xb6: {  	s30 =	sld [smem:$0x0];
	_ =	sdelay $0x2  }
0xb7: {  	s31 =	sshll.u32 s1, $0xD;
	s1 =	sshrl.u32 s1, $0x2  }
0xb8: {  	s3 =	sand.u32 $0x4000, s31;
	s1 =	sadd.s32 s1, s30  }
0xb9: {  	s0 =	sor.u32 s3, s0;
	s1 =	sshll.u32 s1, $0x11  }
0xba: {  	s0 =	sor.u32 s1, s0  }
0xbb: {  	s0 =	sadd.s32 $0x8F2B, s0  }
0xbc: {  	[sflag:s0] =	ssyncadd.remote.s32 $0x1  }
0xbd: {  	_ =	sfence.sel $0xFFFF  }
0xbe: {  	[dreg:$0x0] =	wrdreg $0xFFFFFFFF;
	(pc) =	sbr.abs _section_cstart, $3  }
0xbf: {  	[dreg:$0x1] =	wrdreg $0xFFFFFFFF  }
0xc0: {  	_ =	task.clear_ibuf [dreg:s6], $0x2FFFF;
	_ =	strace $0x9FFFFFFF  }
0xc1: {  	(tm) =	ssettm $0x7FFFFFFF  }
tec
execute0_lowered:
.L_overlay_start_1:
0x0: {  	(tag) =	ssettag $0x1  }
0x1: {  	s1 =	srdreg.scid  }
0x2: {  	s0 =	stileid.u32;
	s5 =	rddreg [dreg:$0x0]  }
0x3: {  	s3 =	simm.s32 $0x0;
	s10 =	simm.s32 $0x20;
	s4 =	sand.u32 $0x1, s1  }
0x4: {  	s11 =	simm.s32 $0x8000;
	s31 =	sshll.u32 s0, $0x6;
	s2 =	sshll.u32 s4, $0x5  }
0x5: {  	s12 =	simm.s32 $0x7000;
	s13 =	simm.s32 $0x1;
	s2 =	sor.u32 s2, s31  }
0x6: {  	s14 =	simm.s32 $0x8200;
	s15 =	simm.s32 $0x9200;
	s6 =	sshrl.u32 s2, $0x3  }
0x7: {  	s16 =	simm.s32 $0x8080;
	[smem:$0x7FF] =	sst s3;
	s6 =	smul.u32 $0x380, s6  }
.Ltmp0:
0x8: {  	s17 =	simm.s32 $0x0;
	_ =	strace $0x80000047;
	(pc) =	sbr.rel .LBB2_1-.Ltmp0, $4  }
0x9: {  	s7 =	ssub.s32 $0x2, s4;
	s4 =	sadd.s32 $0x30F200, s5;
	s8 =	sshll.u32 s2, $0x4  }
0xa: {  	s9 =	sshrl.u32 s7, $0x1;
	s8 =	sadd.s32 s8, s5;
	s6 =	sadd.s32 s6, s5  }
0xb: {  	s9 =	ssub.s32 s7, s9;
	s7 =	sadd.s32 $0x20800, s8;
	s5 =	sadd.s32 $0x800, s6  }
0xc: {  	v0 =	vimm.f32 $0.0e+00;
	s6 =	sadd.s32 $0x1C800, s8;
	s8 =	smax.u32 s9, $0x1;
	s9 =	simm.s32 $0x2  }
.LBB2_11:
0xd: {  	[hbm4b:s6+s3] =	stream.linear.scatter [tilespmem:s14], [sflag:$0x2], $0x1000, $0x38;
	[tilespmem:$0xA200] =	vst v63  }
0xe: {  	s17 =	sadd.s32 $0x1, s17;
	_ =	swait.ge [sflag:s9], $0x1000  }
0xf: {  	p0 =	sne.s32 s17, s8;
	[sflag:s9] =	ssyncset.done $0x0  }
.Ltmp1:
0x10: {  	[sflag:s9] =	ssyncadd.s32 $0xFFFFF000;
	(pc) =	sbr.rel @!p0 .LBB2_12-.Ltmp1, $4  }
0x11: {  	[hbm4b:s7+s3] =	stream.linear.scatter [tilespmem:s15], [sflag:$0x2], $0x1000, $0x38;
	[tilespmem:$0xA200] =	vst v63  }
0x12: {  	_ =	swait.ge [sflag:s9], $0x1000  }
0x13: {  	[sflag:s9] =	ssyncset.done $0x0  }
0x14: {  	[sflag:s9] =	ssyncadd.s32 $0xFFFFF000  }
.LBB2_1:
.Ltmp2:
0x15: {  	(pc) =	sbr.rel .LBB2_2-.Ltmp2, $4  }
0x16: {  	[tilespmem:s3], [sflag:$0x2] =	stream.linear.gather [hbm4b:s5+s3], $0x7000, $0x38;
	[tilespmem:$0xA200] =	vst v63  }
0x17: {  	_ =	swait.ge [sflag:s9], $0x7000  }
0x18: {  	[sflag:s9] =	ssyncset.done $0x0  }
0x19: {  	s18 =	simm.s32 $0x0;
	[sflag:s9] =	ssyncadd.s32 $0xFFFF9000  }
.LBB2_10:
0x1a: {  	p0 =	slt.s32 s20, $0x1  }
0x1b: {  	v1 =	vld @!p0 [tilespmem:$0x8100]  }
0x1c: {  	v2 =	vld @!p0 [tilespmem:$0x8180];
	_ =	sdelay $0x1  }
0x1d: {  	v7 =	vmov @!p0 s20;
	v8 =	vlaneseq.u32 @!p0  }
0x1e: {  	vm0 =	vgt.s32 @!p0 v7, v8  }
0x1f: {  	v1 =	vnsel @!p0 vm0, $0x7149F2CA, v1  }
0x20: {  	(xrf1) =	vsort.ascd.msk.f32 @!p0 $0xffff, v1, v2;
	_ =	sdelay $0xb  }
0x21: {  	v1 =	vmul.u32 @!p0 $0xFFFFFFFF, v8;
	_ =	sdelay $0x1  }
0x22: {  	v1 =	vadd.s32 @!p0 $0xF, v1;
	v2, v7, _ =	vpop @!p0 (xrf1)  }
0x23: {  	v2 =	vperm.xlane @!p0 v2, v1  }
0x24: {  	v7 =	vperm.xlane @!p0 v7, v1  }
0x25: {  	vm0 =	vle.f32 @!p0 v6, v2  }
0x26: {  	v2 =	vmin.f32 @!p0 v6, v2;
	v7 =	vsel @!p0 vm0, v5, v7  }
0x27: {  	(xrf1) =	vsort.ascd.msk.f32 @!p0 $0xffff, v2, v7;
	_ =	sdelay $0xd  }
0x28: {  	v2, v7, _ =	vpop @!p0 (xrf1)  }
0x29: {  	v2 =	vperm.xlane @!p0 v2, v1  }
0x2a: {  	v1 =	vperm.xlane @!p0 v7, v1  }
0x2b: {  	vm0 =	vle.f32 @!p0 v4, v2  }
0x2c: {  	v7 =	vmin.f32 @!p0 v4, v2;
	v8 =	vsel @!p0 vm0, v3, v1  }
0x2d: {  	v2 =	vmax.f32 @!p0 v4, v2;
	v1 =	vsel @!p0 vm0, v1, v3;
	(xrf1) =	vsort.ascd.msk.f32 @!p0 $0xffff, v7, v8  }
0x2e: {  	(xrf1) =	vsort.ascd.msk.f32 @!p0 $0xffff, v2, v1;
	_ =	sdelay $0xc  }
0x2f: {  	v1, v2, _ =	vpop @!p0 (xrf1)  }
0x30: {  	s18 =	sadd.s32 $0x1, s18;
	v7, v8, _ =	vpop @!p0 (xrf1);
	v1 =	vpsel p0, v4, v1  }
0x31: {  	v63 =	vpsel p0, v6, v7;
	[tilespmem:s19+$0x8200] =	vst v1;
	v1 =	vpsel p0, v3, v2;
	v2 =	vpsel p0, v5, v8;
	p0 =	sne.s32 s18, $0x20  }
.Ltmp3:
0x32: {  	_ = 	snop;
	(pc) =	sbr.rel @!p0 .LBB2_11-.Ltmp3, $4  }
0x33: {  	_ = 	snop  }
0x34: {  	[tilespmem:s19+$0x8210] =	vst v63  }
0x35: {  	[tilespmem:s19+$0x9200] =	vst v1  }
0x36: {  	[tilespmem:s19+$0x9210] =	vst v2  }
.LBB2_2:
.Ltmp4:
0x37: {  	(pc) =	sbr.rel .LBB2_3-.Ltmp4, $4  }
0x38: {  	s19 =	sshrl.u32 s18, $0x3  }
0x39: {  	s20 =	smul.u32 $0x7000, s19;
	s19 =	sshll.u32 s18, $0x7  }
0x3a: {  	v6 =	vimm.f32 $1.000000020e+30;
	v5 =	vimm.s32 $0x0;
	s24 =	simm.s32 $0x30;
	s21 =	simm.s32 $0x0;
	s22 =	sand.u32 $0x380, s19  }
0x3b: {  	s25 =	simm.s32 $0x0;
	v2 =	vimm.s32 $0x0;
	v3 =	vimm.f32 $1.000000020e+30;
	s23 =	sshra.s32 s20, $0x2;
	s20 =	simm.f32 $1.000000020e+30;
	v1 =	vmov s22  }
.LBB2_5:
0x3c: {  	s24 =	sadd.s32 $0x40, s24  }
0x3d: {  	p0 =	sne.s32 s24, $0x330  }
.Ltmp5:
0x3e: {  	_ = 	snop;
	(pc) =	sbr.rel @!p0 .LBB2_6-.Ltmp5, $2  }
0x3f: {  	_ =	sdelay $0x2  }
0x40: {  	s25 =	sadd.s32 $0x200, s25  }
.LBB2_3:
0x41: {  	_ = 	snop  }
0x42: {  	s26 =	sadd.s32 $0xFFFFFFD0, s24;
	s28 =	sand.u32 $0x1C00, s25  }
0x43: {  	s29 =	sadd.s32 $0xFFFFFFE0, s24;
	s30 =	sand.u32 $0x40, s26;
	s31 =	sadd.s32 s28, s23  }
0x44: {  	s1 =	sand.u32 $0x50, s29;
	s28 =	sadd.s32 $0xFFFFFFF0, s24;
	s30 =	sadd.s32 s30, s31  }
0x45: {  	s1 =	sadd.s32 s1, s31;
	v9 =	vld.idx.msk [tilespmem:v1+s30+$0x0 ss:$0x1], $0xffff;
	s30 =	sand.u32 $0x60, s28  }
0x46: {  	v8 =	vld.idx.msk [tilespmem:v1+s1+$0x0 ss:$0x1], $0xffff;
	s1 =	sadd.s32 s30, s31;
	s30 =	sand.u32 $0x70, s24  }
0x47: {  	v7 =	vld.idx.msk [tilespmem:v1+s1+$0x0 ss:$0x1], $0xffff;
	s30 =	sadd.s32 s30, s31  }
0x48: {  	v4 =	vld.idx.msk [tilespmem:v1+s30+$0x0 ss:$0x1], $0xffff;
	_ =	sdelay $0x4  }
0x49: {  	v10 =	vmin.f32 v9, v8;
	v11 =	vmin.f32 v7, v4  }
0x4a: {  	v10 =	vmin.f32 v10, v11  }
0x4b: {  	(xrf0) =	vmin.scan.msk.f32 $0xffff, v10;
	_ =	sdelay $0x5  }
0x4c: {  	v10, _, _ =	vpop (xrf0)  }
0x4d: {  	(v2sf) =	vpush v10, $0xF;
	_ =	sdelay $0xe  }
0x4e: {  	s31 =	spop (v2sf)  }
0x4f: {  	p0 =	sle.f32 s31, s20  }
.Ltmp6:
0x50: {  	_ = 	snop;
	(pc) =	sbr.rel @!p0 .LBB2_5-.Ltmp6, $1  }
0x51: {  	_ =	sdelay $0x3  }
0x52: {  	vm0 =	vle.f32 v9, s20  }
0x53: {  	v10 =	vsel vm0, $0x3F800000, v0  }
0x54: {  	(xrf0) =	vmax.scan.msk.f32 $0xffff, v10;
	_ =	sdelay $0x5  }
0x55: {  	v10, _, _ =	vpop (xrf0)  }
0x56: {  	(v2sf) =	vpush v10, $0xF;
	_ =	sdelay $0xe  }
0x57: {  	s1 =	spop (v2sf)  }
0x58: {  	p1 =	sgt.f32 s1, $0.0e+00  }
0x59: {  	v10 =	vmov s20  }
0x5a: {  	vm0 =	vle.f32 @p1 v9, v10;
	v11 =	vimm.s32 @p1 $0x0  }
0x5b: {  	v11 =	vsel @p1 vm0, $0x1, v11  }
0x5c: {  	(xrf0) =	vadd.scan.msk.s32 @p1 $0xffff, v11;
	_ =	sdelay $0x5  }
0x5d: {  	v11, _, _ =	vpop @p1 (xrf0)  }
0x5e: {  	(v2sf) =	vpush @p1 v11, $0xF;
	_ =	sdelay $0xe  }
0x5f: {  	s1 =	spop @p1 (v2sf)  }
0x60: {  	v11 =	vlaneseq.u32 @p1;
	s1 =	sadd.s32 @p1 s21, s1  }
0x61: {  	[tilespmem:s21+$0x8100] =	vst.msk @p1 vm0, v9;
	v11 =	vor.u32 @p1 s26, v11;
	p2 =	slt.s32 @p1 s1, $0x10  }
0x62: {  	[tilespmem:s21+$0x8180] =	vst.msk @p1 vm0, v11;
	p0 =	por p2, !p1  }
0x63: {  	v9 =	vld @!p0 [tilespmem:$0x8100]  }
0x64: {  	v11 =	vld @!p0 [tilespmem:$0x8180];
	_ =	sdelay $0x4  }
0x65: {  	(xrf1) =	vsort.ascd.msk.f32 @!p0 $0xffff, v9, v11;
	_ =	sdelay $0xa  }
0x66: {  	v9 =	vlaneseq.u32 @!p0  }
0x67: {  	v9 =	vmul.u32 @!p0 $0xFFFFFFFF, v9;
	_ =	sdelay $0x1  }
0x68: {  	v9 =	vadd.s32 @!p0 $0xF, v9;
	v11, v12, _ =	vpop @!p0 (xrf1)  }
0x69: {  	v11 =	vperm.xlane @!p0 v11, v9  }
0x6a: {  	v12 =	vperm.xlane @!p0 v12, v9  }
0x6b: {  	vm0 =	vle.f32 @!p0 v6, v11  }
0x6c: {  	v11 =	vmin.f32 @!p0 v6, v11;
	v12 =	vsel @!p0 vm0, v5, v12  }
0x6d: {  	(xrf1) =	vsort.ascd.msk.f32 @!p0 $0xffff, v11, v12;
	_ =	sdelay $0xd  }
0x6e: {  	v11, v12, _ =	vpop @!p0 (xrf1)  }
0x6f: {  	v11 =	vperm.xlane @!p0 v11, v9  }
0x70: {  	v9 =	vperm.xlane @!p0 v12, v9  }
0x71: {  	vm0 =	vle.f32 @!p0 v3, v11  }
0x72: {  	v12 =	vmin.f32 @!p0 v3, v11;
	v13 =	vsel @!p0 vm0, v2, v9  }
0x73: {  	v11 =	vmax.f32 @!p0 v3, v11;
	v9 =	vsel @!p0 vm0, v9, v2;
	(xrf1) =	vsort.ascd.msk.f32 @!p0 $0xffff, v12, v13  }
0x74: {  	(xrf1) =	vsort.ascd.msk.f32 @!p0 $0xffff, v11, v9;
	_ =	sdelay $0xc  }
0x75: {  	v9, v11, _ =	vpop @!p0 (xrf1)  }
0x76: {  	v12, v13, _ =	vpop @!p0 (xrf1)  }
0x77: {  	(xrf0) =	vmax.scan.msk.f32 @!p0 $0xffff, v12;
	_ =	sdelay $0x5  }
0x78: {  	v14, _, _ =	vpop @!p0 (xrf0)  }
0x79: {  	v15 =	vbroadcast @!p0 v14, $0xF  }
0x7a: {  	p4 =	por !p2, !p1  }
0x7b: {  	v15 =	vpsel p4, v15, v10  }
0x7c: {  	v10 =	vpsel p1, v15, v10  }
0x7d: {  	vm13 =	vle.f32 v8, v10  }
0x7e: {  	v58 =	vsel vm13, $0x3F800000, v0  }
0x7f: {  	(xrf0) =	vmax.scan.msk.f32 $0xffff, v58;
	_ =	sdelay $0x5  }
0x80: {  	(v2sf) =	vpush @!p0 v14, $0xF;
	v59, _, _ =	vpop (xrf0)  }
0x81: {  	(v2sf) =	vpush v59, $0xF;
	_ =	sdelay $0xb  }
0x82: {  	s26 =	simm.s32 @!p4 $0x0  }
0x83: {  	s26 =	simm.s32 @p4 $0x1  }
0x84: {  	[smem:$0x7FB] =	sst s26;
	s26 =	spop @!p0 (v2sf)  }
0x85: {  	s30 =	spop (v2sf)  }
0x86: {  	p2 =	sgt.f32 s30, $0.0e+00;
	_ =	sdelay $0x1  }
0x87: {  	vm0 =	vle.f32 @p2 v8, v10;
	v14 =	vimm.s32 @p2 $0x0  }
0x88: {  	v14 =	vsel @p2 vm0, $0x1, v14  }
0x89: {  	(xrf0) =	vadd.scan.msk.s32 @p2 $0xffff, v14;
	_ =	sdelay $0x5  }
0x8a: {  	v14, _, _ =	vpop @p2 (xrf0)  }
0x8b: {  	(v2sf) =	vpush @p2 v14, $0xF;
	_ =	sdelay $0x9  }
0x8c: {  	v15 =	vld @!p0 [tilespmem:$0x8190]  }
0x8d: {  	v14 =	vld @!p0 [tilespmem:$0x8110];
	_ =	sdelay $0x1  }
0x8e: {  	s30 =	sadd.s32 @!p0 $0xFFFFFFF0, s1  }
0x8f: {  	s1 =	smov.u32 @p4 s30  }
0x90: {  	[tilespmem:$0x8180] =	vst @!p0 v15;
	s21 =	smov.u32 @p1 s1;
	s1 =	spop @p2 (v2sf)  }
0x91: {  	[tilespmem:$0x8100] =	vst @!p0 v14;
	v14 =	vlaneseq.u32 @p2;
	s30 =	sadd.s32 @p2 s21, s1  }
0x92: {  	v14 =	vor.u32 @p2 s29, v14;
	[tilespmem:s21+$0x8100] =	vst.msk @p2 vm0, v8;
	p3 =	slt.s32 @p2 s30, $0x10  }
0x93: {  	[tilespmem:s21+$0x8180] =	vst.msk @p2 vm0, v14;
	p0 =	por p3, !p2  }
0x94: {  	v8 =	vld @!p0 [tilespmem:$0x8100]  }
0x95: {  	v14 =	vld @!p0 [tilespmem:$0x8180];
	_ =	sdelay $0x4  }
0x96: {  	(xrf1) =	vsort.ascd.msk.f32 @!p0 $0xffff, v8, v14;
	_ =	sdelay $0xa  }
0x97: {  	v8 =	vlaneseq.u32 @!p0  }
0x98: {  	v8 =	vmul.u32 @!p0 $0xFFFFFFFF, v8;
	_ =	sdelay $0x1  }
0x99: {  	v8 =	vadd.s32 @!p0 $0xF, v8;
	v14, v15, _ =	vpop @!p0 (xrf1)  }
0x9a: {  	v12 =	vpsel p4, v12, v6;
	v14 =	vperm.xlane @!p0 v14, v8  }
0x9b: {  	v13 =	vpsel p4, v13, v5;
	v6 =	vpsel p1, v12, v6;
	v12 =	vperm.xlane @!p0 v15, v8  }
0x9c: {  	v5 =	vpsel p1, v13, v5;
	vm0 =	vle.f32 @!p0 v6, v14  }
0x9d: {  	v13 =	vmin.f32 @!p0 v6, v14;
	v12 =	vsel @!p0 vm0, v5, v12  }
0x9e: {  	(xrf1) =	vsort.ascd.msk.f32 @!p0 $0xffff, v13, v12;
	_ =	sdelay $0xd  }
0x9f: {  	v12, v13, _ =	vpop @!p0 (xrf1)  }
0xa0: {  	v9 =	vpsel p4, v9, v3;
	v12 =	vperm.xlane @!p0 v12, v8  }
0xa1: {  	v11 =	vpsel p4, v11, v2;
	v3 =	vpsel p1, v9, v3;
	v8 =	vperm.xlane @!p0 v13, v8  }
0xa2: {  	v2 =	vpsel p1, v11, v2;
	vm0 =	vle.f32 @!p0 v3, v12  }
0xa3: {  	v9 =	vmin.f32 @!p0 v3, v12;
	v11 =	vsel @!p0 vm0, v2, v8  }
0xa4: {  	v12 =	vmax.f32 @!p0 v3, v12;
	v8 =	vsel @!p0 vm0, v8, v2;
	(xrf1) =	vsort.ascd.msk.f32 @!p0 $0xffff, v9, v11  }
0xa5: {  	(xrf1) =	vsort.ascd.msk.f32 @!p0 $0xffff, v12, v8;
	_ =	sdelay $0xc  }
0xa6: {  	v8, v9, _ =	vpop @!p0 (xrf1)  }
0xa7: {  	v11, v12, _ =	vpop @!p0 (xrf1)  }
0xa8: {  	(xrf0) =	vmax.scan.msk.f32 @!p0 $0xffff, v11;
	_ =	sdelay $0x5  }
0xa9: {  	v13, _, _ =	vpop @!p0 (xrf0)  }
0xaa: {  	v14 =	vbroadcast @!p0 v13, $0xF  }
0xab: {  	p3 =	por !p3, !p2  }
0xac: {  	v14 =	vpsel p3, v14, v10  }
0xad: {  	v10 =	vpsel p2, v14, v10  }
0xae: {  	vm14 =	vle.f32 v7, v10  }
0xaf: {  	v60 =	vsel vm14, $0x3F800000, v0  }
0xb0: {  	(xrf0) =	vmax.scan.msk.f32 $0xffff, v60;
	_ =	sdelay $0x5  }
0xb1: {  	(v2sf) =	vpush @!p0 v13, $0xF;
	v61, _, _ =	vpop (xrf0)  }
0xb2: {  	(v2sf) =	vpush v61, $0xF;
	_ =	sdelay $0xd  }
0xb3: {  	s29 =	spop @!p0 (v2sf)  }
0xb4: {  	s31 =	spop (v2sf)  }
0xb5: {  	p4 =	sgt.f32 s31, $0.0e+00;
	_ =	sdelay $0x1  }
0xb6: {  	vm0 =	vle.f32 @p4 v7, v10;
	v13 =	vimm.s32 @p4 $0x0  }
0xb7: {  	v13 =	vsel @p4 vm0, $0x1, v13  }
0xb8: {  	(xrf0) =	vadd.scan.msk.s32 @p4 $0xffff, v13;
	_ =	sdelay $0x5  }
0xb9: {  	v13, _, _ =	vpop @p4 (xrf0)  }
0xba: {  	(v2sf) =	vpush @p4 v13, $0xF;
	_ =	sdelay $0x9  }
0xbb: {  	v14 =	vld @!p0 [tilespmem:$0x8190]  }
0xbc: {  	s1 =	simm.s32 @!p3 $0x0;
	v13 =	vld @!p0 [tilespmem:$0x8110]  }
0xbd: {  	s1 =	simm.s32 @p3 $0x1  }
0xbe: {  	[smem:$0x7FC] =	sst s1;
	s1 =	sadd.s32 @!p0 $0xFFFFFFF0, s30  }
0xbf: {  	s30 =	smov.u32 @p3 s1  }
0xc0: {  	s21 =	smov.u32 @p2 s30;
	[tilespmem:$0x8180] =	vst @!p0 v14;
	s1 =	spop @p4 (v2sf)  }
0xc1: {  	[tilespmem:$0x8100] =	vst @!p0 v13;
	v13 =	vlaneseq.u32 @p4;
	s31 =	sadd.s32 @p4 s21, s1  }
0xc2: {  	v13 =	vor.u32 @p4 s28, v13;
	[tilespmem:s21+$0x8100] =	vst.msk @p4 vm0, v7;
	p5 =	slt.s32 @p4 s31, $0x10  }
0xc3: {  	[tilespmem:s21+$0x8180] =	vst.msk @p4 vm0, v13;
	p0 =	por p5, !p4  }
0xc4: {  	v7 =	vld @!p0 [tilespmem:$0x8100]  }
0xc5: {  	v13 =	vld @!p0 [tilespmem:$0x8180];
	_ =	sdelay $0x4  }
0xc6: {  	(xrf1) =	vsort.ascd.msk.f32 @!p0 $0xffff, v7, v13;
	_ =	sdelay $0xa  }
0xc7: {  	v7 =	vlaneseq.u32 @!p0  }
0xc8: {  	v7 =	vmul.u32 @!p0 $0xFFFFFFFF, v7;
	_ =	sdelay $0x1  }
0xc9: {  	v7 =	vadd.s32 @!p0 $0xF, v7;
	v13, v14, _ =	vpop @!p0 (xrf1)  }
0xca: {  	v11 =	vpsel p3, v11, v6;
	v13 =	vperm.xlane @!p0 v13, v7  }
0xcb: {  	v12 =	vpsel p3, v12, v5;
	v6 =	vpsel p2, v11, v6;
	v11 =	vperm.xlane @!p0 v14, v7  }
0xcc: {  	v5 =	vpsel p2, v12, v5;
	vm0 =	vle.f32 @!p0 v6, v13  }
0xcd: {  	v12 =	vmin.f32 @!p0 v6, v13;
	v11 =	vsel @!p0 vm0, v5, v11  }
0xce: {  	(xrf1) =	vsort.ascd.msk.f32 @!p0 $0xffff, v12, v11;
	_ =	sdelay $0xd  }
0xcf: {  	v11, v12, _ =	vpop @!p0 (xrf1)  }
0xd0: {  	v8 =	vpsel p3, v8, v3;
	v11 =	vperm.xlane @!p0 v11, v7  }
0xd1: {  	v9 =	vpsel p3, v9, v2;
	v3 =	vpsel p2, v8, v3;
	v7 =	vperm.xlane @!p0 v12, v7  }
0xd2: {  	v2 =	vpsel p2, v9, v2;
	vm0 =	vle.f32 @!p0 v3, v11  }
0xd3: {  	v8 =	vmin.f32 @!p0 v3, v11;
	v9 =	vsel @!p0 vm0, v2, v7  }
0xd4: {  	v11 =	vmax.f32 @!p0 v3, v11;
	v7 =	vsel @!p0 vm0, v7, v2;
	(xrf1) =	vsort.ascd.msk.f32 @!p0 $0xffff, v8, v9  }
0xd5: {  	(xrf1) =	vsort.ascd.msk.f32 @!p0 $0xffff, v11, v7;
	_ =	sdelay $0xc  }
0xd6: {  	v7, v8, _ =	vpop @!p0 (xrf1)  }
0xd7: {  	v9, v11, _ =	vpop @!p0 (xrf1)  }
0xd8: {  	(xrf0) =	vmax.scan.msk.f32 @!p0 $0xffff, v9;
	_ =	sdelay $0x5  }
0xd9: {  	v12, _, _ =	vpop @!p0 (xrf0)  }
0xda: {  	v13 =	vbroadcast @!p0 v12, $0xF  }
0xdb: {  	p6 =	por !p5, !p4  }
0xdc: {  	v13 =	vpsel p6, v13, v10  }
0xdd: {  	v10 =	vpsel p4, v13, v10  }
0xde: {  	vm15 =	vle.f32 v4, v10  }
0xdf: {  	v62 =	vsel vm15, $0x3F800000, v0  }
0xe0: {  	(xrf0) =	vmax.scan.msk.f32 $0xffff, v62;
	_ =	sdelay $0x5  }
0xe1: {  	(v2sf) =	vpush @!p0 v12, $0xF;
	v63, _, _ =	vpop (xrf0)  }
0xe2: {  	(v2sf) =	vpush v63, $0xF;
	_ =	sdelay $0xd  }
0xe3: {  	s30 =	spop @!p0 (v2sf)  }
0xe4: {  	s28 =	spop (v2sf)  }
0xe5: {  	p5 =	sgt.f32 s28, $0.0e+00;
	_ =	sdelay $0x1  }
0xe6: {  	vm0 =	vle.f32 @p5 v4, v10;
	v10 =	vimm.s32 @p5 $0x0  }
0xe7: {  	v10 =	vsel @p5 vm0, $0x1, v10  }
0xe8: {  	(xrf0) =	vadd.scan.msk.s32 @p5 $0xffff, v10;
	_ =	sdelay $0x5  }
0xe9: {  	v10, _, _ =	vpop @p5 (xrf0)  }
0xea: {  	(v2sf) =	vpush @p5 v10, $0xF;
	_ =	sdelay $0xa  }
0xeb: {  	v12 =	vld @!p0 [tilespmem:$0x8190]  }
0xec: {  	v10 =	vld @!p0 [tilespmem:$0x8110]  }
0xed: {  	s1 =	sadd.s32 @!p0 $0xFFFFFFF0, s31  }
0xee: {  	s31 =	smov.u32 @p6 s1  }
0xef: {  	s21 =	smov.u32 @p4 s31;
	s1 =	spop @p5 (v2sf)  }
0xf0: {  	[tilespmem:$0x8180] =	vst @!p0 v12;
	s28 =	sadd.s32 @p5 s21, s1  }
0xf1: {  	[tilespmem:$0x8100] =	vst @!p0 v10;
	v10 =	vlaneseq.u32 @p5;
	p0 =	slt.s32 @p5 s28, $0x10  }
0xf2: {  	v10 =	vor.u32 @p5 s24, v10;
	[tilespmem:s21+$0x8100] =	vst.msk @p5 vm0, v4;
	s1 =	simm.s32 @!p0 $0x0  }
0xf3: {  	[tilespmem:s21+$0x8180] =	vst.msk @p5 vm0, v10;
	s1 =	simm.s32 @p0 $0x1;
	p0 =	por p0, !p5  }
0xf4: {  	v4 =	vld @!p0 [tilespmem:$0x8100]  }
0xf5: {  	v10 =	vld @!p0 [tilespmem:$0x8180];
	_ =	sdelay $0x4  }
0xf6: {  	(xrf1) =	vsort.ascd.msk.f32 @!p0 $0xffff, v4, v10;
	_ =	sdelay $0xa  }
0xf7: {  	v4 =	vlaneseq.u32 @!p0  }
0xf8: {  	v4 =	vmul.u32 @!p0 $0xFFFFFFFF, v4;
	_ =	sdelay $0x1  }
0xf9: {  	v4 =	vadd.s32 @!p0 $0xF, v4;
	v10, v12, _ =	vpop @!p0 (xrf1)  }
0xfa: {  	v9 =	vpsel p6, v9, v6;
	v10 =	vperm.xlane @!p0 v10, v4  }
0xfb: {  	v11 =	vpsel p6, v11, v5;
	v6 =	vpsel p4, v9, v6;
	v9 =	vperm.xlane @!p0 v12, v4  }
0xfc: {  	v5 =	vpsel p4, v11, v5;
	vm0 =	vle.f32 @!p0 v6, v10  }
0xfd: {  	v10 =	vmin.f32 @!p0 v6, v10;
	v9 =	vsel @!p0 vm0, v5, v9  }
0xfe: {  	(xrf1) =	vsort.ascd.msk.f32 @!p0 $0xffff, v10, v9;
	_ =	sdelay $0xd  }
0xff: {  	v9, v10, _ =	vpop @!p0 (xrf1)  }
0x100: {  	v7 =	vpsel p6, v7, v3;
	v9 =	vperm.xlane @!p0 v9, v4  }
0x101: {  	v8 =	vpsel p6, v8, v2;
	v3 =	vpsel p4, v7, v3;
	v4 =	vperm.xlane @!p0 v10, v4  }
0x102: {  	v2 =	vpsel p4, v8, v2;
	vm0 =	vle.f32 @!p0 v3, v9  }
0x103: {  	v7 =	vmin.f32 @!p0 v3, v9;
	v8 =	vsel @!p0 vm0, v2, v4  }
0x104: {  	v9 =	vmax.f32 @!p0 v3, v9;
	v4 =	vsel @!p0 vm0, v4, v2;
	(xrf1) =	vsort.ascd.msk.f32 @!p0 $0xffff, v7, v8  }
0x105: {  	(xrf1) =	vsort.ascd.msk.f32 @!p0 $0xffff, v9, v4;
	_ =	sdelay $0xc  }
0x106: {  	v4, v7, _ =	vpop @!p0 (xrf1)  }
0x107: {  	v8, v9, _ =	vpop @!p0 (xrf1)  }
0x108: {  	(xrf0) =	vmax.scan.msk.f32 @!p0 $0xffff, v8;
	_ =	sdelay $0x5  }
0x109: {  	v10, _, _ =	vpop @!p0 (xrf0)  }
0x10a: {  	(v2sf) =	vpush @!p0 v10, $0xF;
	_ =	sdelay $0x1  }
0x10b: {  	s31 =	sld [smem:$0x7FB];
	_ =	sdelay $0x2  }
0x10c: {  	p3 =	seq.s32 s31, $0x1;
	s31 =	sld [smem:$0x7FC]  }
0x10d: {  	[smem:$0x7FD] =	sst s1;
	s1 =	smov.u32 s20  }
0x10e: {  	s1 =	smov.u32 @p3 s26  }
0x10f: {  	s20 =	smov.u32 @p1 s1  }
0x110: {  	p1 =	seq.s32 s31, $0x1;
	s1 =	smov.u32 s20  }
0x111: {  	s31 =	sld [smem:$0x7FD];
	s1 =	smov.u32 @p1 s29  }
0x112: {  	v11 =	vld @!p0 [tilespmem:$0x8190];
	s20 =	smov.u32 @p2 s1  }
0x113: {  	s1 =	smov.u32 s20;
	v10 =	vld @!p0 [tilespmem:$0x8110]  }
.Ltmp7:
0x114: {  	s1 =	smov.u32 @p6 s30;
	p6 =	seq.s32 s31, $0x1;
	(pc) =	sbr.rel .LBB2_5-.Ltmp7, $4  }
0x115: {  	s20 =	smov.u32 @p4 s1;
	p1 =	por !p6, !p5  }
0x116: {  	s26 =	sadd.s32 @!p0 $0xFFFFFFF0, s28;
	s29 =	smov.u32 s20;
	v4 =	vpsel p1, v4, v3;
	v7 =	vpsel p1, v7, v2;
	s1 =	spop @!p0 (v2sf)  }
0x117: {  	[tilespmem:$0x8180] =	vst @!p0 v11;
	s28 =	smov.u32 @p1 s26;
	v8 =	vpsel p1, v8, v6;
	v9 =	vpsel p1, v9, v5;
	v3 =	vpsel p5, v4, v3;
	s29 =	smov.u32 @p1 s1  }
0x118: {  	s21 =	smov.u32 @p5 s28;
	v2 =	vpsel p5, v7, v2;
	v6 =	vpsel p5, v8, v6;
	v5 =	vpsel p5, v9, v5;
	[tilespmem:$0x8100] =	vst @!p0 v10;
	s20 =	smov.u32 @p5 s29  }
.LBB2_6:
0x119: {  	s1 =	sadd.s32 s22, s23  }
0x11a: {  	v1 =	vld [tilespmem:s1+$0x1800];
	_ =	sdelay $0x4  }
0x11b: {  	vm0 =	vle.f32 v1, s20  }
0x11c: {  	v4 =	vsel vm0, $0x3F800000, v0  }
0x11d: {  	(xrf0) =	vmax.scan.msk.f32 $0xffff, v4;
	_ =	sdelay $0x5  }
0x11e: {  	v4, _, _ =	vpop (xrf0)  }
0x11f: {  	(v2sf) =	vpush v4, $0xF;
	_ =	sdelay $0xe  }
0x120: {  	s30 =	spop (v2sf)  }
0x121: {  	p0 =	sgt.f32 s30, $0.0e+00  }
0x122: {  	v4 =	vmov s20  }
0x123: {  	vm0 =	vle.f32 @p0 v1, v4;
	v4 =	vimm.s32 @p0 $0x0  }
0x124: {  	v4 =	vsel @p0 vm0, $0x1, v4  }
0x125: {  	(xrf0) =	vadd.scan.msk.s32 @p0 $0xffff, v4;
	_ =	sdelay $0x5  }
0x126: {  	v4, _, _ =	vpop @p0 (xrf0)  }
0x127: {  	(v2sf) =	vpush @p0 v4, $0xF;
	_ =	sdelay $0xe  }
0x128: {  	s1 =	spop @p0 (v2sf)  }
0x129: {  	v4 =	vlaneseq.u32 @p0;
	s1 =	sadd.s32 @p0 s21, s1  }
0x12a: {  	[tilespmem:s21+$0x8100] =	vst.msk @p0 vm0, v1;
	v1 =	vor.u32 @p0 $0x300, v4;
	p2 =	slt.s32 @p0 s1, $0x10  }
0x12b: {  	[tilespmem:s21+$0x8180] =	vst.msk @p0 vm0, v1;
	p1 =	por p2, !p0  }
0x12c: {  	v1 =	vld @!p1 [tilespmem:$0x8100]  }
0x12d: {  	v4 =	vld @!p1 [tilespmem:$0x8180];
	_ =	sdelay $0x4  }
0x12e: {  	(xrf1) =	vsort.ascd.msk.f32 @!p1 $0xffff, v1, v4;
	_ =	sdelay $0xa  }
0x12f: {  	v1 =	vlaneseq.u32 @!p1  }
0x130: {  	v1 =	vmul.u32 @!p1 $0xFFFFFFFF, v1;
	_ =	sdelay $0x1  }
0x131: {  	v1 =	vadd.s32 @!p1 $0xF, v1;
	v4, v7, _ =	vpop @!p1 (xrf1)  }
0x132: {  	v4 =	vperm.xlane @!p1 v4, v1  }
0x133: {  	v7 =	vperm.xlane @!p1 v7, v1  }
0x134: {  	vm0 =	vle.f32 @!p1 v6, v4  }
0x135: {  	v4 =	vmin.f32 @!p1 v6, v4;
	v7 =	vsel @!p1 vm0, v5, v7  }
0x136: {  	(xrf1) =	vsort.ascd.msk.f32 @!p1 $0xffff, v4, v7;
	_ =	sdelay $0x8  }
0x137: {  	v4 =	vld @!p1 [tilespmem:$0x8110]  }
0x138: {  	v7 =	vld @!p1 [tilespmem:$0x8190]  }
0x139: {  	p2 =	por !p2, !p0;
	s22 =	sadd.s32 @!p1 $0xFFFFFFF0, s1  }
0x13a: {  	s1 =	smov.u32 @p2 s22  }
0x13b: {  	s21 =	smov.u32 @p0 s1  }
0x13c: {  	p3 =	slt.s32 s21, $0x1;
	[tilespmem:$0x8100] =	vst @!p1 v4;
	v8, v9, _ =	vpop @!p1 (xrf1)  }
0x13d: {  	[tilespmem:$0x8180] =	vst @!p1 v7;
	v4 =	vld @!p3 [tilespmem:$0x8100];
	v8 =	vperm.xlane @!p1 v8, v1  }
0x13e: {  	v7 =	vld @!p3 [tilespmem:$0x8180];
	v1 =	vperm.xlane @!p1 v9, v1  }
0x13f: {  	v11 =	vmov @!p3 s21;
	v12 =	vlaneseq.u32 @!p3;
	vm0 =	vle.f32 @!p1 v3, v8  }
0x140: {  	v9 =	vmin.f32 @!p1 v3, v8;
	v8 =	vmax.f32 @!p1 v3, v8;
	v10 =	vsel @!p1 vm0, v2, v1  }
0x141: {  	v1 =	vsel @!p1 vm0, v1, v2;
	vm0 =	vgt.s32 @!p3 v11, v12;
	(xrf1) =	vsort.ascd.msk.f32 @!p1 $0xffff, v9, v10  }
0x142: {  	(xrf1) =	vsort.ascd.msk.f32 @!p1 $0xffff, v8, v1;
	v1 =	vnsel @!p3 vm0, $0x7149F2CA, v4  }
0x143: {  	(xrf1) =	vsort.ascd.msk.f32 @!p3 $0xffff, v1, v7;
	_ =	sdelay $0xb  }
0x144: {  	v7 =	vmul.u32 @!p3 $0xFFFFFFFF, v12;
	v1, v4, _ =	vpop @!p1 (xrf1)  }
0x145: {  	v8, v9, _ =	vpop @!p1 (xrf1)  }
0x146: {  	v7 =	vadd.s32 @!p3 $0xF, v7;
	v10, v11, _ =	vpop @!p3 (xrf1)  }
0x147: {  	v63 =	vpsel p2, v8, v6;
	v10 =	vperm.xlane @!p3 v10, v7  }
0x148: {  	v9 =	vpsel p2, v9, v5;
	v6 =	vpsel p0, v63, v6;
	v11 =	vperm.xlane @!p3 v11, v7  }
0x149: {  	v5 =	vpsel p0, v9, v5;
	vm0 =	vle.f32 @!p3 v6, v10  }
0x14a: {  	v6 =	vmin.f32 @!p3 v6, v10;
	v9 =	vsel @!p3 vm0, v5, v11  }
0x14b: {  	(xrf1) =	vsort.ascd.msk.f32 @!p3 $0xffff, v6, v9;
	_ =	sdelay $0xd  }
0x14c: {  	v6, v9, _ =	vpop @!p3 (xrf1)  }
0x14d: {  	v1 =	vpsel p2, v1, v3;
	v6 =	vperm.xlane @!p3 v6, v7  }
0x14e: {  	v4 =	vpsel p2, v4, v2;
	v1 =	vpsel p0, v1, v3;
	v3 =	vperm.xlane @!p3 v9, v7  }
0x14f: {  	v2 =	vpsel p0, v4, v2;
	vm0 =	vle.f32 @!p3 v1, v6  }
0x150: {  	v4 =	vmin.f32 @!p3 v1, v6;
	v7 =	vsel @!p3 vm0, v2, v3  }
0x151: {  	v1 =	vmax.f32 @!p3 v1, v6;
	v3 =	vsel @!p3 vm0, v3, v2;
	(xrf1) =	vsort.ascd.msk.f32 @!p3 $0xffff, v4, v7  }
0x152: {  	(xrf1) =	vsort.ascd.msk.f32 @!p3 $0xffff, v1, v3;
	_ =	sdelay $0xc  }
0x153: {  	_, v1, _ =	vpop @!p3 (xrf1)  }
0x154: {  	(xrf0) =	vmax.scan.msk.f32 @!p1 $0xffff, v8;
	v4, v3, _ =	vpop @!p3 (xrf1)  }
0x155: {  	(xrf0) =	vmax.scan.msk.f32 @!p3 $0xffff, v4;
	_ =	sdelay $0x4  }
0x156: {  	v4, _, _ =	vpop @!p1 (xrf0)  }
0x157: {  	(v2sf) =	vpush @!p1 v4, $0xF;
	v4, _, _ =	vpop @!p3 (xrf0)  }
0x158: {  	(v2sf) =	vpush @!p3 v4, $0xF;
	_ =	sdelay $0x4  }
0x159: {  	s31 =	sadd.s32 s2, s18  }
0x15a: {  	s1 =	smul.u32 $0x310, s31  }
0x15b: {  	v1 =	vpsel p3, v2, v1  }
0x15c: {  	v2 =	vpsel p3, v5, v3;
	v3 =	vadd.s32 s1, v1  }
0x15d: {  	v1 =	vshll.u32 v1, $0x7;
	[tilespmem:$0x8000] =	vst v3  }
0x15e: {  	v3 =	vadd.s32 s1, v2;
	[tilespmem:$0x8080] =	vst v1  }
0x15f: {  	v1 =	vshll.u32 v2, $0x7;
	[tilespmem:$0x8010] =	vst v3  }
0x160: {  	[tilespmem:$0x8090] =	vst v1  }
0x161: {  	[tilespmem:s12], [sflag:$0x1] =	stream.indirect.gather [hbm4b:s4+s10], $0x80, s11, s10, $0xb8;
	[tilespmem:$0xA200] =	vst v63  }
.Ltmp8:
0x162: {  	s1 =	spop @!p1 (v2sf);
	(pc) =	sbr.rel .LBB2_7-.Ltmp8, $4  }
0x163: {  	s22 =	smov.u32 s20;
	s21 =	spop @!p3 (v2sf)  }
0x164: {  	s23 =	simm.s32 $0x0;
	s22 =	smov.u32 @p2 s1;
	_ =	swait.ge [sflag:s13], $0x1000  }
0x165: {  	v6 =	vimm.f32 $1.000000020e+30;
	s20 =	smov.u32 @p0 s22;
	s22 =	simm.s32 $0x0;
	[sflag:s13] =	ssyncset.done $0x0  }
0x166: {  	v5 =	vimm.s32 $0x0;
	v3 =	vimm.s32 $0x0;
	v4 =	vimm.f32 $1.000000020e+30;
	s21 =	smov.u32 @p3 s20;
	s20 =	simm.s32 $0x0;
	[sflag:s13] =	ssyncadd.s32 $0xFFFFF000  }
.LBB2_9:
0x167: {  	s23 =	sadd.s32 $0x1, s23  }
0x168: {  	p0 =	sne.s32 s23, $0x40  }
.Ltmp9:
0x169: {  	_ = 	snop;
	(pc) =	sbr.rel @!p0 .LBB2_10-.Ltmp9, $2  }
0x16a: {  	_ =	sdelay $0x2  }
0x16b: {  	s22 =	sadd.s32 $0x40, s22  }
.LBB2_7:
0x16c: {  	s1 =	sshll.u32 s23, $0x6  }
0x16d: {  	s24 =	sand.u32 $0x40, s22;
	s1 =	sand.u32 $0x3FFFFF80, s1  }
0x16e: {  	s1 =	sor.u32 s24, s1  }
0x16f: {  	v9 =	vld [tilespmem:s1+$0x7000]  }
0x170: {  	v8 =	vld [tilespmem:s1+$0x7010]  }
0x171: {  	v7 =	vld [tilespmem:s1+$0x7020]  }
0x172: {  	v1 =	vld [tilespmem:s1+$0x7030];
	_ =	sdelay $0x4  }
0x173: {  	v2 =	vmin.f32 v9, v8;
	v10 =	vmin.f32 v7, v1  }
0x174: {  	v2 =	vmin.f32 v2, v10  }
0x175: {  	(xrf0) =	vmin.scan.msk.f32 $0xffff, v2;
	_ =	sdelay $0x5  }
0x176: {  	v2, _, _ =	vpop (xrf0)  }
0x177: {  	(v2sf) =	vpush v2, $0xF;
	_ =	sdelay $0xe  }
0x178: {  	s31 =	spop (v2sf)  }
0x179: {  	p0 =	sle.f32 s31, s21  }
.Ltmp10:
0x17a: {  	_ = 	snop;
	(pc) =	sbr.rel @!p0 .LBB2_9-.Ltmp10, $1  }
0x17b: {  	_ =	sdelay $0x3  }
0x17c: {  	vm0 =	vle.f32 v9, s21  }
0x17d: {  	v2 =	vsel vm0, $0x3F800000, v0  }
0x17e: {  	(xrf0) =	vmax.scan.msk.f32 $0xffff, v2;
	_ =	sdelay $0x5  }
0x17f: {  	v2, _, _ =	vpop (xrf0)  }
0x180: {  	(v2sf) =	vpush v2, $0xF;
	_ =	sdelay $0xe  }
0x181: {  	s1 =	spop (v2sf)  }
0x182: {  	p1 =	sgt.f32 s1, $0.0e+00  }
0x183: {  	v10 =	vmov s21  }
0x184: {  	vm0 =	vle.f32 @p1 v9, v10;
	v2 =	vimm.s32 @p1 $0x0  }
0x185: {  	v2 =	vsel @p1 vm0, $0x1, v2  }
0x186: {  	(xrf0) =	vadd.scan.msk.s32 @p1 $0xffff, v2;
	_ =	sdelay $0x5  }
0x187: {  	v2, _, _ =	vpop @p1 (xrf0)  }
0x188: {  	(v2sf) =	vpush @p1 v2, $0xF;
	_ =	sdelay $0x4  }
0x189: {  	s26 =	sshrl.u32 s23, $0x1  }
0x18a: {  	v2 =	vmov s26;
	_ =	sdelay $0x4  }
0x18b: {  	v2 =	vld.idx.msk [tilespmem:v2+s16+$0x0], $0xffff;
	_ =	sdelay $0x3  }
0x18c: {  	s1 =	spop @p1 (v2sf)  }
0x18d: {  	v11 =	vlaneseq.u32 @p1;
	v2 =	vadd.s32 s24, v2;
	s1 =	sadd.s32 @p1 s20, s1  }
0x18e: {  	[tilespmem:s20+$0x8100] =	vst.msk @p1 vm0, v9;
	v11 =	vadd.s32 @p1 v11, v2;
	p2 =	slt.s32 @p1 s1, $0x10  }
0x18f: {  	[tilespmem:s20+$0x8180] =	vst.msk @p1 vm0, v11;
	p0 =	por p2, !p1  }
0x190: {  	v9 =	vld @!p0 [tilespmem:$0x8100]  }
0x191: {  	v11 =	vld @!p0 [tilespmem:$0x8180];
	_ =	sdelay $0x4  }
0x192: {  	(xrf1) =	vsort.ascd.msk.f32 @!p0 $0xffff, v9, v11;
	_ =	sdelay $0xa  }
0x193: {  	v9 =	vlaneseq.u32 @!p0  }
0x194: {  	v9 =	vmul.u32 @!p0 $0xFFFFFFFF, v9;
	_ =	sdelay $0x1  }
0x195: {  	v9 =	vadd.s32 @!p0 $0xF, v9;
	v11, v12, _ =	vpop @!p0 (xrf1)  }
0x196: {  	v11 =	vperm.xlane @!p0 v11, v9  }
0x197: {  	v12 =	vperm.xlane @!p0 v12, v9  }
0x198: {  	vm0 =	vle.f32 @!p0 v6, v11  }
0x199: {  	v11 =	vmin.f32 @!p0 v6, v11;
	v12 =	vsel @!p0 vm0, v5, v12  }
0x19a: {  	(xrf1) =	vsort.ascd.msk.f32 @!p0 $0xffff, v11, v12;
	_ =	sdelay $0xd  }
0x19b: {  	v11, v12, _ =	vpop @!p0 (xrf1)  }
0x19c: {  	v11 =	vperm.xlane @!p0 v11, v9  }
0x19d: {  	v9 =	vperm.xlane @!p0 v12, v9  }
0x19e: {  	vm0 =	vle.f32 @!p0 v4, v11  }
0x19f: {  	v12 =	vmin.f32 @!p0 v4, v11;
	v13 =	vsel @!p0 vm0, v3, v9  }
0x1a0: {  	v11 =	vmax.f32 @!p0 v4, v11;
	v9 =	vsel @!p0 vm0, v9, v3;
	(xrf1) =	vsort.ascd.msk.f32 @!p0 $0xffff, v12, v13  }
0x1a1: {  	(xrf1) =	vsort.ascd.msk.f32 @!p0 $0xffff, v11, v9;
	_ =	sdelay $0xc  }
0x1a2: {  	v9, v11, _ =	vpop @!p0 (xrf1)  }
0x1a3: {  	v12, v13, _ =	vpop @!p0 (xrf1)  }
0x1a4: {  	(xrf0) =	vmax.scan.msk.f32 @!p0 $0xffff, v12;
	_ =	sdelay $0x5  }
0x1a5: {  	v14, _, _ =	vpop @!p0 (xrf0)  }
0x1a6: {  	v15 =	vbroadcast @!p0 v14, $0xF  }
0x1a7: {  	p4 =	por !p2, !p1  }
0x1a8: {  	v15 =	vpsel p4, v15, v10  }
0x1a9: {  	v10 =	vpsel p1, v15, v10  }
0x1aa: {  	vm13 =	vle.f32 v8, v10  }
0x1ab: {  	v58 =	vsel vm13, $0x3F800000, v0  }
0x1ac: {  	(xrf0) =	vmax.scan.msk.f32 $0xffff, v58;
	_ =	sdelay $0x5  }
0x1ad: {  	(v2sf) =	vpush @!p0 v14, $0xF;
	v59, _, _ =	vpop (xrf0)  }
0x1ae: {  	(v2sf) =	vpush v59, $0xF;
	_ =	sdelay $0xb  }
0x1af: {  	s24 =	simm.s32 @!p4 $0x0  }
0x1b0: {  	s24 =	simm.s32 @p4 $0x1  }
0x1b1: {  	[smem:$0x7F8] =	sst s24;
	s24 =	spop @!p0 (v2sf)  }
0x1b2: {  	s25 =	spop (v2sf)  }
0x1b3: {  	p2 =	sgt.f32 s25, $0.0e+00;
	_ =	sdelay $0x1  }
0x1b4: {  	vm0 =	vle.f32 @p2 v8, v10;
	v14 =	vimm.s32 @p2 $0x0  }
0x1b5: {  	v14 =	vsel @p2 vm0, $0x1, v14  }
0x1b6: {  	(xrf0) =	vadd.scan.msk.s32 @p2 $0xffff, v14;
	_ =	sdelay $0x5  }
0x1b7: {  	v14, _, _ =	vpop @p2 (xrf0)  }
0x1b8: {  	(v2sf) =	vpush @p2 v14, $0xF;
	_ =	sdelay $0x9  }
0x1b9: {  	v14 =	vld @!p0 [tilespmem:$0x8110]  }
0x1ba: {  	v15 =	vld @!p0 [tilespmem:$0x8190];
	_ =	sdelay $0x1  }
0x1bb: {  	s25 =	sadd.s32 @!p0 $0xFFFFFFF0, s1  }
0x1bc: {  	s1 =	smov.u32 @p4 s25  }
0x1bd: {  	s20 =	smov.u32 @p1 s1;
	[tilespmem:$0x8100] =	vst @!p0 v14;
	v14 =	vlaneseq.u32 @p2;
	s1 =	spop @p2 (v2sf)  }
0x1be: {  	[tilespmem:$0x8180] =	vst @!p0 v15;
	v14 =	vor.u32 @p2 $0x10, v14;
	s26 =	sadd.s32 @p2 s20, s1  }
0x1bf: {  	[tilespmem:s20+$0x8100] =	vst.msk @p2 vm0, v8;
	v14 =	vadd.s32 @p2 v14, v2;
	p3 =	slt.s32 @p2 s26, $0x10  }
0x1c0: {  	[tilespmem:s20+$0x8180] =	vst.msk @p2 vm0, v14;
	p0 =	por p3, !p2  }
0x1c1: {  	v8 =	vld @!p0 [tilespmem:$0x8100]  }
0x1c2: {  	v14 =	vld @!p0 [tilespmem:$0x8180];
	_ =	sdelay $0x4  }
0x1c3: {  	(xrf1) =	vsort.ascd.msk.f32 @!p0 $0xffff, v8, v14;
	_ =	sdelay $0xa  }
0x1c4: {  	v8 =	vlaneseq.u32 @!p0  }
0x1c5: {  	v8 =	vmul.u32 @!p0 $0xFFFFFFFF, v8;
	_ =	sdelay $0x1  }
0x1c6: {  	v8 =	vadd.s32 @!p0 $0xF, v8;
	v14, v15, _ =	vpop @!p0 (xrf1)  }
0x1c7: {  	v12 =	vpsel p4, v12, v6;
	v14 =	vperm.xlane @!p0 v14, v8  }
0x1c8: {  	v13 =	vpsel p4, v13, v5;
	v6 =	vpsel p1, v12, v6;
	v12 =	vperm.xlane @!p0 v15, v8  }
0x1c9: {  	v5 =	vpsel p1, v13, v5;
	vm0 =	vle.f32 @!p0 v6, v14  }
0x1ca: {  	v13 =	vmin.f32 @!p0 v6, v14;
	v12 =	vsel @!p0 vm0, v5, v12  }
0x1cb: {  	(xrf1) =	vsort.ascd.msk.f32 @!p0 $0xffff, v13, v12;
	_ =	sdelay $0xd  }
0x1cc: {  	v12, v13, _ =	vpop @!p0 (xrf1)  }
0x1cd: {  	v9 =	vpsel p4, v9, v4;
	v12 =	vperm.xlane @!p0 v12, v8  }
0x1ce: {  	v11 =	vpsel p4, v11, v3;
	v4 =	vpsel p1, v9, v4;
	v8 =	vperm.xlane @!p0 v13, v8  }
0x1cf: {  	v3 =	vpsel p1, v11, v3;
	vm0 =	vle.f32 @!p0 v4, v12  }
0x1d0: {  	v9 =	vmin.f32 @!p0 v4, v12;
	v11 =	vsel @!p0 vm0, v3, v8  }
0x1d1: {  	v12 =	vmax.f32 @!p0 v4, v12;
	v8 =	vsel @!p0 vm0, v8, v3;
	(xrf1) =	vsort.ascd.msk.f32 @!p0 $0xffff, v9, v11  }
0x1d2: {  	(xrf1) =	vsort.ascd.msk.f32 @!p0 $0xffff, v12, v8;
	_ =	sdelay $0xc  }
0x1d3: {  	v8, v9, _ =	vpop @!p0 (xrf1)  }
0x1d4: {  	v11, v12, _ =	vpop @!p0 (xrf1)  }
0x1d5: {  	(xrf0) =	vmax.scan.msk.f32 @!p0 $0xffff, v11;
	_ =	sdelay $0x5  }
0x1d6: {  	v13, _, _ =	vpop @!p0 (xrf0)  }
0x1d7: {  	v14 =	vbroadcast @!p0 v13, $0xF  }
0x1d8: {  	p3 =	por !p3, !p2  }
0x1d9: {  	v14 =	vpsel p3, v14, v10  }
0x1da: {  	v10 =	vpsel p2, v14, v10  }
0x1db: {  	vm14 =	vle.f32 v7, v10  }
0x1dc: {  	v60 =	vsel vm14, $0x3F800000, v0  }
0x1dd: {  	(xrf0) =	vmax.scan.msk.f32 $0xffff, v60;
	_ =	sdelay $0x5  }
0x1de: {  	(v2sf) =	vpush @!p0 v13, $0xF;
	v61, _, _ =	vpop (xrf0)  }
0x1df: {  	(v2sf) =	vpush v61, $0xF;
	_ =	sdelay $0xd  }
0x1e0: {  	s25 =	spop @!p0 (v2sf)  }
0x1e1: {  	s28 =	spop (v2sf)  }
0x1e2: {  	p4 =	sgt.f32 s28, $0.0e+00;
	_ =	sdelay $0x1  }
0x1e3: {  	vm0 =	vle.f32 @p4 v7, v10;
	v13 =	vimm.s32 @p4 $0x0  }
0x1e4: {  	v13 =	vsel @p4 vm0, $0x1, v13  }
0x1e5: {  	(xrf0) =	vadd.scan.msk.s32 @p4 $0xffff, v13;
	_ =	sdelay $0x5  }
0x1e6: {  	v13, _, _ =	vpop @p4 (xrf0)  }
0x1e7: {  	(v2sf) =	vpush @p4 v13, $0xF;
	_ =	sdelay $0x9  }
0x1e8: {  	v13 =	vld @!p0 [tilespmem:$0x8110]  }
0x1e9: {  	s1 =	simm.s32 @!p3 $0x0;
	v14 =	vld @!p0 [tilespmem:$0x8190]  }
0x1ea: {  	s1 =	simm.s32 @p3 $0x1  }
0x1eb: {  	[smem:$0x7F9] =	sst s1;
	s1 =	sadd.s32 @!p0 $0xFFFFFFF0, s26  }
0x1ec: {  	s26 =	smov.u32 @p3 s1  }
0x1ed: {  	s20 =	smov.u32 @p2 s26;
	[tilespmem:$0x8100] =	vst @!p0 v13;
	v13 =	vlaneseq.u32 @p4;
	s1 =	spop @p4 (v2sf)  }
0x1ee: {  	[tilespmem:$0x8180] =	vst @!p0 v14;
	v13 =	vor.u32 @p4 $0x20, v13;
	s28 =	sadd.s32 @p4 s20, s1  }
0x1ef: {  	[tilespmem:s20+$0x8100] =	vst.msk @p4 vm0, v7;
	v13 =	vadd.s32 @p4 v13, v2;
	p5 =	slt.s32 @p4 s28, $0x10  }
0x1f0: {  	[tilespmem:s20+$0x8180] =	vst.msk @p4 vm0, v13;
	p0 =	por p5, !p4  }
0x1f1: {  	v7 =	vld @!p0 [tilespmem:$0x8100]  }
0x1f2: {  	v13 =	vld @!p0 [tilespmem:$0x8180];
	_ =	sdelay $0x4  }
0x1f3: {  	(xrf1) =	vsort.ascd.msk.f32 @!p0 $0xffff, v7, v13;
	_ =	sdelay $0xa  }
0x1f4: {  	v7 =	vlaneseq.u32 @!p0  }
0x1f5: {  	v7 =	vmul.u32 @!p0 $0xFFFFFFFF, v7;
	_ =	sdelay $0x1  }
0x1f6: {  	v7 =	vadd.s32 @!p0 $0xF, v7;
	v13, v14, _ =	vpop @!p0 (xrf1)  }
0x1f7: {  	v11 =	vpsel p3, v11, v6;
	v13 =	vperm.xlane @!p0 v13, v7  }
0x1f8: {  	v12 =	vpsel p3, v12, v5;
	v6 =	vpsel p2, v11, v6;
	v11 =	vperm.xlane @!p0 v14, v7  }
0x1f9: {  	v5 =	vpsel p2, v12, v5;
	vm0 =	vle.f32 @!p0 v6, v13  }
0x1fa: {  	v12 =	vmin.f32 @!p0 v6, v13;
	v11 =	vsel @!p0 vm0, v5, v11  }
0x1fb: {  	(xrf1) =	vsort.ascd.msk.f32 @!p0 $0xffff, v12, v11;
	_ =	sdelay $0xd  }
0x1fc: {  	v11, v12, _ =	vpop @!p0 (xrf1)  }
0x1fd: {  	v8 =	vpsel p3, v8, v4;
	v11 =	vperm.xlane @!p0 v11, v7  }
0x1fe: {  	v9 =	vpsel p3, v9, v3;
	v4 =	vpsel p2, v8, v4;
	v7 =	vperm.xlane @!p0 v12, v7  }
0x1ff: {  	v3 =	vpsel p2, v9, v3;
	vm0 =	vle.f32 @!p0 v4, v11  }
0x200: {  	v8 =	vmin.f32 @!p0 v4, v11;
	v9 =	vsel @!p0 vm0, v3, v7  }
0x201: {  	v11 =	vmax.f32 @!p0 v4, v11;
	v7 =	vsel @!p0 vm0, v7, v3;
	(xrf1) =	vsort.ascd.msk.f32 @!p0 $0xffff, v8, v9  }
0x202: {  	(xrf1) =	vsort.ascd.msk.f32 @!p0 $0xffff, v11, v7;
	_ =	sdelay $0xc  }
0x203: {  	v7, v8, _ =	vpop @!p0 (xrf1)  }
0x204: {  	v9, v11, _ =	vpop @!p0 (xrf1)  }
0x205: {  	(xrf0) =	vmax.scan.msk.f32 @!p0 $0xffff, v9;
	_ =	sdelay $0x5  }
0x206: {  	v12, _, _ =	vpop @!p0 (xrf0)  }
0x207: {  	v13 =	vbroadcast @!p0 v12, $0xF  }
0x208: {  	p6 =	por !p5, !p4  }
0x209: {  	v13 =	vpsel p6, v13, v10  }
0x20a: {  	v10 =	vpsel p4, v13, v10  }
0x20b: {  	vm15 =	vle.f32 v1, v10  }
0x20c: {  	v62 =	vsel vm15, $0x3F800000, v0  }
0x20d: {  	(xrf0) =	vmax.scan.msk.f32 $0xffff, v62;
	_ =	sdelay $0x5  }
0x20e: {  	(v2sf) =	vpush @!p0 v12, $0xF;
	v63, _, _ =	vpop (xrf0)  }
0x20f: {  	(v2sf) =	vpush v63, $0xF;
	_ =	sdelay $0xd  }
0x210: {  	s26 =	spop @!p0 (v2sf)  }
0x211: {  	s29 =	spop (v2sf)  }
0x212: {  	p5 =	sgt.f32 s29, $0.0e+00;
	_ =	sdelay $0x1  }
0x213: {  	vm0 =	vle.f32 @p5 v1, v10;
	v10 =	vimm.s32 @p5 $0x0  }
0x214: {  	v10 =	vsel @p5 vm0, $0x1, v10  }
0x215: {  	(xrf0) =	vadd.scan.msk.s32 @p5 $0xffff, v10;
	_ =	sdelay $0x5  }
0x216: {  	v10, _, _ =	vpop @p5 (xrf0)  }
0x217: {  	(v2sf) =	vpush @p5 v10, $0xF;
	_ =	sdelay $0xa  }
0x218: {  	v10 =	vld @!p0 [tilespmem:$0x8110]  }
0x219: {  	v12 =	vld @!p0 [tilespmem:$0x8190]  }
0x21a: {  	s1 =	sadd.s32 @!p0 $0xFFFFFFF0, s28  }
0x21b: {  	s28 =	smov.u32 @p6 s1  }
0x21c: {  	s20 =	smov.u32 @p4 s28;
	s1 =	spop @p5 (v2sf)  }
0x21d: {  	[tilespmem:$0x8100] =	vst @!p0 v10;
	v10 =	vlaneseq.u32 @p5;
	s28 =	sadd.s32 @p5 s20, s1  }
0x21e: {  	[tilespmem:$0x8180] =	vst @!p0 v12;
	v10 =	vor.u32 @p5 $0x30, v10;
	p0 =	slt.s32 @p5 s28, $0x10  }
0x21f: {  	[tilespmem:s20+$0x8100] =	vst.msk @p5 vm0, v1;
	v2 =	vadd.s32 @p5 v10, v2;
	s1 =	simm.s32 @!p0 $0x0  }
0x220: {  	[tilespmem:s20+$0x8180] =	vst.msk @p5 vm0, v2;
	s1 =	simm.s32 @p0 $0x1;
	p0 =	por p0, !p5  }
0x221: {  	v1 =	vld @!p0 [tilespmem:$0x8100]  }
0x222: {  	v2 =	vld @!p0 [tilespmem:$0x8180];
	_ =	sdelay $0x4  }
0x223: {  	(xrf1) =	vsort.ascd.msk.f32 @!p0 $0xffff, v1, v2;
	_ =	sdelay $0xa  }
0x224: {  	v1 =	vlaneseq.u32 @!p0  }
0x225: {  	v1 =	vmul.u32 @!p0 $0xFFFFFFFF, v1;
	_ =	sdelay $0x1  }
0x226: {  	v1 =	vadd.s32 @!p0 $0xF, v1;
	v2, v10, _ =	vpop @!p0 (xrf1)  }
0x227: {  	v9 =	vpsel p6, v9, v6;
	v2 =	vperm.xlane @!p0 v2, v1  }
0x228: {  	v11 =	vpsel p6, v11, v5;
	v6 =	vpsel p4, v9, v6;
	v9 =	vperm.xlane @!p0 v10, v1  }
0x229: {  	v5 =	vpsel p4, v11, v5;
	vm0 =	vle.f32 @!p0 v6, v2  }
0x22a: {  	v2 =	vmin.f32 @!p0 v6, v2;
	v9 =	vsel @!p0 vm0, v5, v9  }
0x22b: {  	(xrf1) =	vsort.ascd.msk.f32 @!p0 $0xffff, v2, v9;
	_ =	sdelay $0xd  }
0x22c: {  	v2, v9, _ =	vpop @!p0 (xrf1)  }
0x22d: {  	v7 =	vpsel p6, v7, v4;
	v2 =	vperm.xlane @!p0 v2, v1  }
0x22e: {  	v8 =	vpsel p6, v8, v3;
	v4 =	vpsel p4, v7, v4;
	v1 =	vperm.xlane @!p0 v9, v1  }
0x22f: {  	v3 =	vpsel p4, v8, v3;
	vm0 =	vle.f32 @!p0 v4, v2  }
0x230: {  	v7 =	vmin.f32 @!p0 v4, v2;
	v8 =	vsel @!p0 vm0, v3, v1  }
0x231: {  	v2 =	vmax.f32 @!p0 v4, v2;
	v1 =	vsel @!p0 vm0, v1, v3;
	(xrf1) =	vsort.ascd.msk.f32 @!p0 $0xffff, v7, v8  }
0x232: {  	(xrf1) =	vsort.ascd.msk.f32 @!p0 $0xffff, v2, v1;
	_ =	sdelay $0xc  }
0x233: {  	v1, v2, _ =	vpop @!p0 (xrf1)  }
0x234: {  	v7, v8, _ =	vpop @!p0 (xrf1)  }
0x235: {  	(xrf0) =	vmax.scan.msk.f32 @!p0 $0xffff, v7;
	_ =	sdelay $0x5  }
0x236: {  	v9, _, _ =	vpop @!p0 (xrf0)  }
0x237: {  	(v2sf) =	vpush @!p0 v9, $0xF;
	_ =	sdelay $0x2  }
0x238: {  	s29 =	sld [smem:$0x7F8];
	_ =	sdelay $0x1  }
0x239: {  	s30 =	sld [smem:$0x7F9]  }
0x23a: {  	p3 =	seq.s32 s29, $0x1;
	[smem:$0x7FA] =	sst s1;
	s1 =	smov.u32 s21  }
0x23b: {  	s1 =	smov.u32 @p3 s24  }
0x23c: {  	s21 =	smov.u32 @p1 s1  }
0x23d: {  	p1 =	seq.s32 s30, $0x1;
	s1 =	smov.u32 s21  }
0x23e: {  	s31 =	sld [smem:$0x7FA];
	s1 =	smov.u32 @p1 s25  }
0x23f: {  	s21 =	smov.u32 @p2 s1;
	v10 =	vld @!p0 [tilespmem:$0x8190]  }
0x240: {  	s1 =	smov.u32 s21;
	v9 =	vld @!p0 [tilespmem:$0x8110]  }
.Ltmp11:
0x241: {  	s1 =	smov.u32 @p6 s26;
	p6 =	seq.s32 s31, $0x1;
	(pc) =	sbr.rel .LBB2_9-.Ltmp11, $4  }
0x242: {  	s21 =	smov.u32 @p4 s1;
	p1 =	por !p6, !p5  }
0x243: {  	s24 =	sadd.s32 @!p0 $0xFFFFFFF0, s28;
	s25 =	smov.u32 s21;
	v1 =	vpsel p1, v1, v4;
	v2 =	vpsel p1, v2, v3;
	s1 =	spop @!p0 (v2sf)  }
0x244: {  	s28 =	smov.u32 @p1 s24;
	[tilespmem:$0x8180] =	vst @!p0 v10;
	v7 =	vpsel p1, v7, v6;
	v8 =	vpsel p1, v8, v5;
	v4 =	vpsel p5, v1, v4;
	s25 =	smov.u32 @p1 s1  }
0x245: {  	s20 =	smov.u32 @p5 s28;
	v3 =	vpsel p5, v2, v3;
	v6 =	vpsel p5, v7, v6;
	v5 =	vpsel p5, v8, v5;
	[tilespmem:$0x8100] =	vst @!p0 v9;
	s21 =	smov.u32 @p5 s25  }
.LBB2_12:
0x246: {  	_ =	sfence.sel $0x180000  }
0x247: {  	[bflag:$0x0] =	sbarrier.arrive $0xFFFF  }
0x248: {  	_ =	strace $0x90000047  }
0x249: {  	[bflag:$0x2] =	sbarrier.arrive $0xFFFF  }
0x24a: {  	p0 =	sne.s32 s0, $0x0;
	s0 =	rddreg [dreg:$0x1]  }
0x24b: {  	s0 =	sadd.s32 @!p0 $0x100000, s0  }
0x24c: {  	[sflag:s0] =	ssyncadd.tile.s32 @!p0 $0x1;
	_ =	shalt  }
.Lfunc_end2:
_tile_overlayer_lowered:
.L_overlay_start_2:
0x24d: {  	(tag) =	ssettag $0x2  }
0x24e: {  	s0 =	rddreg [dreg:$0x0];
	s2 =	stileid.u32  }
0x24f: {  	s1 =	rddreg [dreg:$0x1];
	p0 =	sne.s32 s2, $0x0  }
0x250: {  	s3 =	rddreg [dreg:$0x2];
	[bflag:$0x3] =	sbarrier.arrive $0xFFFF;
	s2 =	simm.s32 @!p0 $0x1C02  }
0x251: {  	[timem:s3], [sflag:s2] =	dma.local @!p0 [hbm:s0], s1  }
0x252: {  	s0 =	simm.s32 @!p0 $0x2  }
0x253: {  	_ =	swait.ge @!p0 [sflag:s0], s1  }
0x254: {  	s1 =	ssub.s32 @!p0 $0x0, s1;
	[sflag:s0] =	ssyncset.done @!p0 $0x0  }
0x255: {  	[sflag:s0] =	ssyncadd.s32 @!p0 s1  }
0x256: {  	[bflag:$0x3] =	sbarrier.arrive $0xFFFF  }
0x257: {  	_ =	shalt  }

</sc_bundles>
